<compile_context>
chip_gen: v7x
topology: tpu7x:2x2x1
jax: 0.10.2.dev20260603
libtpu: 0.0.44.dev20260713+nightly
codegen_flags: <defaults>
</compile_context>

<pallas_src>
import functools

import jax
import jax.numpy as jnp
from jax import lax
from jax.experimental import pallas as pl
from jax.experimental.pallas import tpu as pltpu
from jax.experimental.pallas import tpu_sc as plsc

PAD = 0
LANES = 16
NW = 32


def _sc_target_logits(h2, tgt, W, b128):
    TB, D = h2.shape
    tok = TB // NW
    nchunk = D // LANES
    mesh = plsc.VectorSubcoreMesh(core_axis_name="c", subcore_axis_name="s")

    @functools.partial(
        pl.kernel,
        out_type=jax.ShapeDtypeStruct((TB,), jnp.float32),
        mesh=mesh,
        scratch_types=[
            pltpu.VMEM((tok,), jnp.int32),
            pltpu.VMEM((tok,), jnp.int32),
            pltpu.VMEM((tok, D), jnp.float32),
            pltpu.VMEM((tok, D), jnp.float32),
            pltpu.VMEM((tok, 128), jnp.float32),
            pltpu.VMEM((tok,), jnp.float32),
            pltpu.SemaphoreType.DMA,
        ],
        compiler_params=pltpu.CompilerParams(needs_layout_passes=False),
    )
    def k(h_hbm, t_hbm, w_hbm, b_hbm, out_hbm, idx_v, row_v, wrows_v, h_v,
          brow_v, o_v, sem):
        wid = lax.axis_index("s") * 2 + lax.axis_index("c")
        base = wid * tok
        pltpu.sync_copy(t_hbm.at[pl.ds(base, tok)], idx_v)
        for c in range(tok // LANES):
            idx = idx_v[pl.ds(c * LANES, LANES)]
            row_v[pl.ds(c * LANES, LANES)] = lax.shift_right_logical(idx, 7)
        pltpu.async_copy(w_hbm.at[idx_v], wrows_v, sem).wait()
        pltpu.async_copy(b_hbm.at[row_v], brow_v, sem).wait()
        pltpu.sync_copy(h_hbm.at[pl.ds(base, tok)], h_v)

        lane_iota = lax.broadcasted_iota(jnp.int32, (LANES,), 0)

        for g in range(tok // LANES):
            res = jnp.zeros((LANES,), jnp.float32)
            for l in range(LANES):
                j = g * LANES + l

                def chunk_body(c, acc, j=j):
                    off = pl.multiple_of(c * LANES, LANES)
                    return acc + (wrows_v[j, pl.ds(off, LANES)]
                                  * h_v[j, pl.ds(off, LANES)])

                acc = lax.fori_loop(0, nchunk, chunk_body,
                                    jnp.zeros((LANES,), jnp.float32))
                res = res + jnp.where(lane_iota == l, jnp.sum(acc), 0.0)
            t16 = idx_v[pl.ds(g * LANES, LANES)]
            bvals = plsc.load_gather(brow_v,
                                     [g * LANES + lane_iota, t16 % 128])
            o_v[pl.ds(g * LANES, LANES)] = res + bvals
        pltpu.sync_copy(o_v, out_hbm.at[pl.ds(base, tok)])

    return k(h2, tgt, W, b128)


def _tc_loss(h2, W, b2, tgtlog, t2, tile_v, interpret=False):
    TB, D = h2.shape
    V = W.shape[0]
    nsteps = V // tile_v
    assert V % tile_v == 0

    log2e = 1.4426950408889634

    def body(h_ref, w_ref, b_ref, tl_ref, t_ref, loss_ref, s_ref, hb_ref):
        j = pl.program_id(0)

        @pl.when(j == 0)
        def _init():
            s_ref[...] = jnp.zeros_like(s_ref)
            hb_ref[...] = (h_ref[...] * log2e).astype(jnp.bfloat16)

        logits = lax.dot_general(
            hb_ref[...], w_ref[...].astype(jnp.bfloat16),
            (((1,), (1,)), ((), ())), preferred_element_type=jnp.float32)
        logits = logits + b_ref[0] * log2e
        s_ref[...] += jnp.sum(jnp.exp2(logits), axis=1, keepdims=True)

        @pl.when(j == nsteps - 1)
        def _fini():
            lse = jnp.log(s_ref[...])
            nll = lse - tl_ref[...]
            mask = t_ref[...] != PAD
            loss_ref[0, 0] = jnp.sum(jnp.where(mask, nll, 0.0))

    return pl.pallas_call(
        body,
        grid=(nsteps,),
        in_specs=[
            pl.BlockSpec((TB, D), lambda j: (0, 0)),
            pl.BlockSpec((tile_v, D), lambda j: (j, 0)),
            pl.BlockSpec((1, 1, tile_v), lambda j: (j, 0, 0)),
            pl.BlockSpec((TB, 1), lambda j: (0, 0)),
            pl.BlockSpec((TB, 1), lambda j: (0, 0)),
        ],
        out_specs=pl.BlockSpec((1, 1), lambda j: (0, 0),
                               memory_space=pltpu.SMEM),
        out_shape=jax.ShapeDtypeStruct((1, 1), jnp.float32),
        scratch_shapes=[pltpu.VMEM((TB, 1), jnp.float32),
                        pltpu.VMEM((TB, D), jnp.bfloat16)],
        compiler_params=pltpu.CompilerParams(
            dimension_semantics=("arbitrary",)),
        interpret=interpret,
    )(h2, W, b2, tgtlog, t2)


def kernel(hiddens, targets, W, b):
    T, B, D = hiddens.shape
    V = W.shape[0]
    h2 = hiddens.reshape(T * B, D)
    tgt = targets.reshape(T * B).astype(jnp.int32)
    b128 = jnp.pad(b, (0, (-V) % 128)).reshape(-1, 128)
    tgtlog = _sc_target_logits(h2, tgt, W, b128)
    tile_v = 2000
    loss = _tc_loss(h2, W, b.reshape(-1, 1, tile_v), tgtlog.reshape(T * B, 1),
                    tgt.reshape(T * B, 1), tile_v=tile_v)
    return loss.reshape(())

# --- scband reference (transcript-rebuilt; emitter-appended) ---
"""Pipeline reference for scband-nmtloss-func-37323265803160 (READ-ONLY COPY).

The authoritative reference and input builder live on the scoring server;
editing this copy changes nothing except your own understanding.
"""

import jax, jax.numpy as jnp
import numpy as np

T, B, D, V = 128, 8, 768, 100000
PAD = 0  # onmt.Constants.PAD


def setup_inputs(seed: int = 0) -> dict:
    key = jax.random.key(seed)
    k1, k2, k3 = jax.random.split(key, 3)
    hiddens = jax.random.normal(k1, (T, B, D), dtype=jnp.float32)
    targets = jax.random.randint(k2, (T, B), 0, V, dtype=jnp.int64)
    # generator = Linear(D, V) + LogSoftmax
    W = jax.random.normal(k3, (V, D), dtype=jnp.float32) * 0.02
    b = jnp.zeros((V,), dtype=jnp.float32)
    return {"hiddens": hiddens, "targets": targets, "W": W, "b": b}


def reference(hiddens, targets, W, b):
    # forward(): shard splitting along time does not change the math;
    # generator(hiddens) -> log-probs, then NLLLoss(weight[PAD]=0, size_average=False)
    h = hiddens.reshape(-1, hiddens.shape[-1])            # (T*B, D)
    logits = h @ W.T + b                                   # (T*B, V)
    scores = jax.nn.log_softmax(logits, axis=-1)           # LogSoftmax generator output
    gtruth = targets.reshape(-1)                           # (T*B,)
    nll = -jnp.take_along_axis(scores, gtruth[:, None], axis=1)[:, 0]
    weight = (gtruth != PAD).astype(scores.dtype)          # weight[padding_idx] = 0
    loss = jnp.sum(nll * weight)                           # size_average=False -> sum
    return loss

if __name__ == "__main__":
    import jax
    _d = setup_inputs()
    print(jax.jit(kernel)(*tuple(_d.values())))

</pallas_src>

<mosaic_0001>
#map = affine_map<(d0, d1) -> (0, 0)>
#map1 = affine_map<(d0, d1) -> (0)>
module attributes {stable_mosaic.version = 14 : i64} {
  func.func @k(%arg0: i32, %arg1: i32, %arg2: memref<1024x768xf32, #tpu.memory_space<hbm>>, %arg3: memref<1024xi32, #tpu.memory_space<hbm>>, %arg4: memref<100000x768xf32, #tpu.memory_space<hbm>>, %arg5: memref<782x128xf32, #tpu.memory_space<hbm>>, %arg6: memref<1024xf32, #tpu.memory_space<hbm>>, %arg7: memref<32xi32, #tpu.memory_space<vmem>>, %arg8: memref<32xi32, #tpu.memory_space<vmem>>, %arg9: memref<32x768xf32, #tpu.memory_space<vmem>>, %arg10: memref<32x768xf32, #tpu.memory_space<vmem>>, %arg11: memref<32x128xf32, #tpu.memory_space<vmem>>, %arg12: memref<32xf32, #tpu.memory_space<vmem>>, %arg13: memref<!tpu.dma_semaphore, #tpu.memory_space<semaphore_mem>>) attributes {dimension_semantics = [#tpu.dimension_semantics<core_parallel>, #tpu.dimension_semantics<subcore_parallel>], iteration_bounds = array<i64: 2, 16>, scalar_prefetch = 0 : i64, scratch_operands = 7 : i64, tpu.core_type = #tpu.core_type<sc_vector_subcore>, window_params = [{transform_indices = #map}, {transform_indices = #map1}, {transform_indices = #map}, {transform_indices = #map}, {transform_indices = #map1}]} {
    %mul3A = arith.constant 2 : i32
    %mul3A_0 = arith.muli %arg1, %mul3A : i32
    %add3A = arith.addi %mul3A_0, %arg0 : i32
    %mul3A_1 = arith.constant 32 : i32
    %mul3A_2 = arith.muli %add3A, %mul3A_1 : i32
    "tpu.region"() ({
      %run_scoped3A = tpu.sem_alloc : memref<!tpu.dma_semaphore, #tpu.memory_space<semaphore_mem>>
      %dma_start3A_719 = tpu.memref_slice %arg3[%mul3A_2] : memref<1024xi32, #tpu.memory_space<hbm>> -> memref<32xi32, #tpu.memory_space<hbm>>
      %dma_start3A_720 = tpu.memref_slice %arg3[%mul3A_2] : memref<1024xi32, #tpu.memory_space<hbm>> -> memref<32xi32, #tpu.memory_space<hbm>>
      tpu.enqueue_dma source(%dma_start3A_720 : memref<32xi32, #tpu.memory_space<hbm>>) target(%arg7 : memref<32xi32, #tpu.memory_space<vmem>>) target_semaphore(%run_scoped3A : memref<!tpu.dma_semaphore, #tpu.memory_space<semaphore_mem>>)
      %dma_wait3A_721 = tpu.memref_slice %arg3[%mul3A_2] : memref<1024xi32, #tpu.memory_space<hbm>> -> memref<32xi32, #tpu.memory_space<hbm>>
      %dma_wait3A_722 = tpu.memref_slice %arg3[%mul3A_2] : memref<1024xi32, #tpu.memory_space<hbm>> -> memref<32xi32, #tpu.memory_space<hbm>>
      tpu.wait_dma2 semaphore(%run_scoped3A : memref<!tpu.dma_semaphore, #tpu.memory_space<semaphore_mem>>) src(%dma_wait3A_722 : memref<32xi32, #tpu.memory_space<hbm>>) dst(%arg7 : memref<32xi32, #tpu.memory_space<vmem>>)
      tpu.yield
    }) : () -> ()
    %get3A = arith.constant 0 : index
    %get3A_3 = tpu.vector_load %arg7[%get3A] {strides = array<i32>} : memref<32xi32, #tpu.memory_space<vmem>>, vector<16xi32>,
    %shift_right_logical3A = arith.constant 7 : i32
    %shift_right_logical3A_4 = vector.broadcast %shift_right_logical3A : i32 to vector<16xi32>
    %shift_right_logical3A_5 = arith.shrui %get3A_3, %shift_right_logical3A_4 : vector<16xi32>
    %swap3A = arith.constant 0 : index
    %swap3A_6 = tpu.vector_load %arg8[%swap3A] {strides = array<i32>} : memref<32xi32, #tpu.memory_space<vmem>>, vector<16xi32>,
    tpu.vector_store %arg8[%swap3A], %shift_right_logical3A_5 {strides = array<i32>} : memref<32xi32, #tpu.memory_space<vmem>>, vector<16xi32>,
    %get3A_7 = arith.constant 16 : index
    %get3A_8 = tpu.vector_load %arg7[%get3A_7] {strides = array<i32>} : memref<32xi32, #tpu.memory_space<vmem>>, vector<16xi32>,
    %shift_right_logical3A_9 = arith.constant 7 : i32
    %shift_right_logical3A_10 = vector.broadcast %shift_right_logical3A_9 : i32 to vector<16xi32>
    %shift_right_logical3A_11 = arith.shrui %get3A_8, %shift_right_logical3A_10 : vector<16xi32>
    %swap3A_12 = arith.constant 16 : index
    %swap3A_13 = tpu.vector_load %arg8[%swap3A_12] {strides = array<i32>} : memref<32xi32, #tpu.memory_space<vmem>>, vector<16xi32>,
    tpu.vector_store %arg8[%swap3A_12], %shift_right_logical3A_11 {strides = array<i32>} : memref<32xi32, #tpu.memory_space<vmem>>, vector<16xi32>,
    %dma_start3A = arith.constant 0 : i32
    %dma_start3A_14 = arith.constant 0 : i32
    %dma_start3A_15 = tpu.memref_slice %arg4[%dma_start3A, %dma_start3A_14] : memref<100000x768xf32, #tpu.memory_space<hbm>> -> memref<100000x768xf32, #tpu.memory_space<hbm>>
    tpu.enqueue_indirect_dma source(%dma_start3A_15 : memref<100000x768xf32, #tpu.memory_space<hbm>>) target(%arg9 : memref<32x768xf32, #tpu.memory_space<vmem>>) offsets(%arg7 : memref<32xi32, #tpu.memory_space<vmem>>) semaphore(%arg13 : memref<!tpu.dma_semaphore, #tpu.memory_space<semaphore_mem>>)
    %dma_wait3A = arith.constant 0 : i32
    %dma_wait3A_16 = arith.constant 0 : i32
    %dma_wait3A_17 = tpu.memref_slice %arg4[%dma_wait3A, %dma_wait3A_16] : memref<100000x768xf32, #tpu.memory_space<hbm>> -> memref<100000x768xf32, #tpu.memory_space<hbm>>
    tpu.wait_indirect_dma semaphore(%arg13 : memref<!tpu.dma_semaphore, #tpu.memory_space<semaphore_mem>>) src(%dma_wait3A_17 : memref<100000x768xf32, #tpu.memory_space<hbm>>) dst(%arg9 : memref<32x768xf32, #tpu.memory_space<vmem>>)
    %dma_start3A_18 = arith.constant 0 : i32
    %dma_start3A_19 = arith.constant 0 : i32
    %dma_start3A_20 = tpu.memref_slice %arg5[%dma_start3A_18, %dma_start3A_19] : memref<782x128xf32, #tpu.memory_space<hbm>> -> memref<782x128xf32, #tpu.memory_space<hbm>>
    tpu.enqueue_indirect_dma source(%dma_start3A_20 : memref<782x128xf32, #tpu.memory_space<hbm>>) target(%arg11 : memref<32x128xf32, #tpu.memory_space<vmem>>) offsets(%arg8 : memref<32xi32, #tpu.memory_space<vmem>>) semaphore(%arg13 : memref<!tpu.dma_semaphore, #tpu.memory_space<semaphore_mem>>)
    %dma_wait3A_21 = arith.constant 0 : i32
    %dma_wait3A_22 = arith.constant 0 : i32
    %dma_wait3A_23 = tpu.memref_slice %arg5[%dma_wait3A_21, %dma_wait3A_22] : memref<782x128xf32, #tpu.memory_space<hbm>> -> memref<782x128xf32, #tpu.memory_space<hbm>>
    tpu.wait_indirect_dma semaphore(%arg13 : memref<!tpu.dma_semaphore, #tpu.memory_space<semaphore_mem>>) src(%dma_wait3A_23 : memref<782x128xf32, #tpu.memory_space<hbm>>) dst(%arg11 : memref<32x128xf32, #tpu.memory_space<vmem>>)
    "tpu.region"() ({
      %run_scoped3A = tpu.sem_alloc : memref<!tpu.dma_semaphore, #tpu.memory_space<semaphore_mem>>
      %dma_start3A_719 = arith.constant 0 : i32
      %dma_start3A_720 = tpu.memref_slice %arg2[%mul3A_2, %dma_start3A_719] : memref<1024x768xf32, #tpu.memory_space<hbm>> -> memref<32x768xf32, #tpu.memory_space<hbm>>
      %dma_start3A_721 = arith.constant 0 : i32
      %dma_start3A_722 = tpu.memref_slice %arg2[%mul3A_2, %dma_start3A_721] : memref<1024x768xf32, #tpu.memory_space<hbm>> -> memref<32x768xf32, #tpu.memory_space<hbm>>
      tpu.enqueue_dma source(%dma_start3A_722 : memref<32x768xf32, #tpu.memory_space<hbm>>) target(%arg10 : memref<32x768xf32, #tpu.memory_space<vmem>>) target_semaphore(%run_scoped3A : memref<!tpu.dma_semaphore, #tpu.memory_space<semaphore_mem>>)
      %dma_wait3A_723 = arith.constant 0 : i32
      %dma_wait3A_724 = tpu.memref_slice %arg2[%mul3A_2, %dma_wait3A_723] : memref<1024x768xf32, #tpu.memory_space<hbm>> -> memref<32x768xf32, #tpu.memory_space<hbm>>
      %dma_wait3A_725 = arith.constant 0 : i32
      %dma_wait3A_726 = tpu.memref_slice %arg2[%mul3A_2, %dma_wait3A_725] : memref<1024x768xf32, #tpu.memory_space<hbm>> -> memref<32x768xf32, #tpu.memory_space<hbm>>
      tpu.wait_dma2 semaphore(%run_scoped3A : memref<!tpu.dma_semaphore, #tpu.memory_space<semaphore_mem>>) src(%dma_wait3A_726 : memref<32x768xf32, #tpu.memory_space<hbm>>) dst(%arg10 : memref<32x768xf32, #tpu.memory_space<vmem>>)
      tpu.yield
    }) : () -> ()
    %iota3A = tpu.iota {dimensions = array<i32: 0>} : vector<16xi32>
    %broadcast_in_dim3A = arith.constant 0.000000e+00 : f32
    %broadcast_in_dim3A_24 = vector.broadcast %broadcast_in_dim3A : f32 to vector<16xf32>
    %broadcast_in_dim3A_25 = arith.constant 0.000000e+00 : f32
    %broadcast_in_dim3A_26 = vector.broadcast %broadcast_in_dim3A_25 : f32 to vector<16xf32>
    %scan3A = arith.constant 0 : i32
    %scan3A_27 = arith.constant 48 : i32
    %scan3A_28 = arith.addi %scan3A, %scan3A_27 : i32
    %scan3A_29 = arith.constant 1 : i32
    %scan3A_30 = scf.for %scan3A_719 = %scan3A to %scan3A_28 step %scan3A_29 iter_args(%scan3A_720 = %broadcast_in_dim3A_26) -> (vector<16xf32>)  : i32 {
      %mul3A_721 = arith.constant 16 : i32
      %mul3A_722 = arith.muli %scan3A_719, %mul3A_721 : i32
      %multiple_of3A = tpu.assume_multiple %mul3A_722, 16 : i32
      %get3A_723 = arith.constant 0 : i32
      %get3A_724 = arith.index_cast %get3A_723 : i32 to index
      %get3A_725 = arith.index_cast %multiple_of3A : i32 to index
      %get3A_726 = tpu.vector_load %arg9[%get3A_724, %get3A_725] {strides = array<i32>} : memref<32x768xf32, #tpu.memory_space<vmem>>, vector<16xf32>,
      %get3A_727 = arith.constant 0 : i32
      %get3A_728 = arith.index_cast %get3A_727 : i32 to index
      %get3A_729 = arith.index_cast %multiple_of3A : i32 to index
      %get3A_730 = tpu.vector_load %arg10[%get3A_728, %get3A_729] {strides = array<i32>} : memref<32x768xf32, #tpu.memory_space<vmem>>, vector<16xf32>,
      %mul3A_731 = arith.mulf %get3A_726, %get3A_730 : vector<16xf32>
      %add3A_732 = arith.addf %scan3A_720, %mul3A_731 : vector<16xf32>
      scf.yield %add3A_732 : vector<16xf32>
    }
    %scan3A_31 = arith.constant 48 : i32
    %eq3A = arith.constant 0 : i32
    %eq3A_32 = vector.broadcast %eq3A : i32 to vector<16xi32>
    %eq3A_33 = arith.cmpi eq, %iota3A, %eq3A_32 : vector<16xi32>
    %reduce_sum3A = arith.constant true
    %reduce_sum3A_34 = vector.broadcast %reduce_sum3A : i1 to vector<16xi1>
    %reduce_sum3A_35 = tpu.scan <sum>, %scan3A_30 masked %reduce_sum3A_34 : vector<16xf32>, vector<16xi1> -> vector<16xf32>
    %reduce_sum3A_36 = vector.extract %reduce_sum3A_35[15] : f32 from vector<16xf32>
    %jit3A = arith.constant 0.000000e+00 : f32
    %broadcast_in_dim3A_37 = vector.broadcast %reduce_sum3A_36 : f32 to vector<16xf32>
    %broadcast_in_dim3A_38 = vector.broadcast %jit3A : f32 to vector<16xf32>
    %select_n3A = arith.select %eq3A_33, %broadcast_in_dim3A_37, %broadcast_in_dim3A_38 : vector<16xi1>, vector<16xf32>
    %add3A_39 = arith.addf %broadcast_in_dim3A_24, %select_n3A : vector<16xf32>
    %broadcast_in_dim3A_40 = arith.constant 0.000000e+00 : f32
    %broadcast_in_dim3A_41 = vector.broadcast %broadcast_in_dim3A_40 : f32 to vector<16xf32>
    %scan3A_42 = arith.constant 0 : i32
    %scan3A_43 = arith.constant 48 : i32
    %scan3A_44 = arith.addi %scan3A_42, %scan3A_43 : i32
    %scan3A_45 = arith.constant 1 : i32
    %scan3A_46 = scf.for %scan3A_719 = %scan3A_42 to %scan3A_44 step %scan3A_45 iter_args(%scan3A_720 = %broadcast_in_dim3A_41) -> (vector<16xf32>)  : i32 {
      %mul3A_721 = arith.constant 16 : i32
      %mul3A_722 = arith.muli %scan3A_719, %mul3A_721 : i32
      %multiple_of3A = tpu.assume_multiple %mul3A_722, 16 : i32
      %get3A_723 = arith.constant 1 : i32
      %get3A_724 = arith.index_cast %get3A_723 : i32 to index
      %get3A_725 = arith.index_cast %multiple_of3A : i32 to index
      %get3A_726 = tpu.vector_load %arg9[%get3A_724, %get3A_725] {strides = array<i32>} : memref<32x768xf32, #tpu.memory_space<vmem>>, vector<16xf32>,
      %get3A_727 = arith.constant 1 : i32
      %get3A_728 = arith.index_cast %get3A_727 : i32 to index
      %get3A_729 = arith.index_cast %multiple_of3A : i32 to index
      %get3A_730 = tpu.vector_load %arg10[%get3A_728, %get3A_729] {strides = array<i32>} : memref<32x768xf32, #tpu.memory_space<vmem>>, vector<16xf32>,
      %mul3A_731 = arith.mulf %get3A_726, %get3A_730 : vector<16xf32>
      %add3A_732 = arith.addf %scan3A_720, %mul3A_731 : vector<16xf32>
      scf.yield %add3A_732 : vector<16xf32>
    }
    %scan3A_47 = arith.constant 48 : i32
    %eq3A_48 = arith.constant 1 : i32
    %eq3A_49 = vector.broadcast %eq3A_48 : i32 to vector<16xi32>
    %eq3A_50 = arith.cmpi eq, %iota3A, %eq3A_49 : vector<16xi32>
    %reduce_sum3A_51 = arith.constant true
    %reduce_sum3A_52 = vector.broadcast %reduce_sum3A_51 : i1 to vector<16xi1>
    %reduce_sum3A_53 = tpu.scan <sum>, %scan3A_46 masked %reduce_sum3A_52 : vector<16xf32>, vector<16xi1> -> vector<16xf32>
    %reduce_sum3A_54 = vector.extract %reduce_sum3A_53[15] : f32 from vector<16xf32>
    %jit3A_55 = arith.constant 0.000000e+00 : f32
    %broadcast_in_dim3A_56 = vector.broadcast %reduce_sum3A_54 : f32 to vector<16xf32>
    %broadcast_in_dim3A_57 = vector.broadcast %jit3A_55 : f32 to vector<16xf32>
    %select_n3A_58 = arith.select %eq3A_50, %broadcast_in_dim3A_56, %broadcast_in_dim3A_57 : vector<16xi1>, vector<16xf32>
    %add3A_59 = arith.addf %add3A_39, %select_n3A_58 : vector<16xf32>
    %broadcast_in_dim3A_60 = arith.constant 0.000000e+00 : f32
    %broadcast_in_dim3A_61 = vector.broadcast %broadcast_in_dim3A_60 : f32 to vector<16xf32>
    %scan3A_62 = arith.constant 0 : i32
    %scan3A_63 = arith.constant 48 : i32
    %scan3A_64 = arith.addi %scan3A_62, %scan3A_63 : i32
    %scan3A_65 = arith.constant 1 : i32
    %scan3A_66 = scf.for %scan3A_719 = %scan3A_62 to %scan3A_64 step %scan3A_65 iter_args(%scan3A_720 = %broadcast_in_dim3A_61) -> (vector<16xf32>)  : i32 {
      %mul3A_721 = arith.constant 16 : i32
      %mul3A_722 = arith.muli %scan3A_719, %mul3A_721 : i32
      %multiple_of3A = tpu.assume_multiple %mul3A_722, 16 : i32
      %get3A_723 = arith.constant 2 : i32
      %get3A_724 = arith.index_cast %get3A_723 : i32 to index
      %get3A_725 = arith.index_cast %multiple_of3A : i32 to index
      %get3A_726 = tpu.vector_load %arg9[%get3A_724, %get3A_725] {strides = array<i32>} : memref<32x768xf32, #tpu.memory_space<vmem>>, vector<16xf32>,
      %get3A_727 = arith.constant 2 : i32
      %get3A_728 = arith.index_cast %get3A_727 : i32 to index
      %get3A_729 = arith.index_cast %multiple_of3A : i32 to index
      %get3A_730 = tpu.vector_load %arg10[%get3A_728, %get3A_729] {strides = array<i32>} : memref<32x768xf32, #tpu.memory_space<vmem>>, vector<16xf32>,
      %mul3A_731 = arith.mulf %get3A_726, %get3A_730 : vector<16xf32>
      %add3A_732 = arith.addf %scan3A_720, %mul3A_731 : vector<16xf32>
      scf.yield %add3A_732 : vector<16xf32>
    }
    %scan3A_67 = arith.constant 48 : i32
    %eq3A_68 = arith.constant 2 : i32
    %eq3A_69 = vector.broadcast %eq3A_68 : i32 to vector<16xi32>
    %eq3A_70 = arith.cmpi eq, %iota3A, %eq3A_69 : vector<16xi32>
    %reduce_sum3A_71 = arith.constant true
    %reduce_sum3A_72 = vector.broadcast %reduce_sum3A_71 : i1 to vector<16xi1>
    %reduce_sum3A_73 = tpu.scan <sum>, %scan3A_66 masked %reduce_sum3A_72 : vector<16xf32>, vector<16xi1> -> vector<16xf32>
    %reduce_sum3A_74 = vector.extract %reduce_sum3A_73[15] : f32 from vector<16xf32>
    %jit3A_75 = arith.constant 0.000000e+00 : f32
    %broadcast_in_dim3A_76 = vector.broadcast %reduce_sum3A_74 : f32 to vector<16xf32>
    %broadcast_in_dim3A_77 = vector.broadcast %jit3A_75 : f32 to vector<16xf32>
    %select_n3A_78 = arith.select %eq3A_70, %broadcast_in_dim3A_76, %broadcast_in_dim3A_77 : vector<16xi1>, vector<16xf32>
    %add3A_79 = arith.addf %add3A_59, %select_n3A_78 : vector<16xf32>
    %broadcast_in_dim3A_80 = arith.constant 0.000000e+00 : f32
    %broadcast_in_dim3A_81 = vector.broadcast %broadcast_in_dim3A_80 : f32 to vector<16xf32>
    %scan3A_82 = arith.constant 0 : i32
    %scan3A_83 = arith.constant 48 : i32
    %scan3A_84 = arith.addi %scan3A_82, %scan3A_83 : i32
    %scan3A_85 = arith.constant 1 : i32
    %scan3A_86 = scf.for %scan3A_719 = %scan3A_82 to %scan3A_84 step %scan3A_85 iter_args(%scan3A_720 = %broadcast_in_dim3A_81) -> (vector<16xf32>)  : i32 {
      %mul3A_721 = arith.constant 16 : i32
      %mul3A_722 = arith.muli %scan3A_719, %mul3A_721 : i32
      %multiple_of3A = tpu.assume_multiple %mul3A_722, 16 : i32
      %get3A_723 = arith.constant 3 : i32
      %get3A_724 = arith.index_cast %get3A_723 : i32 to index
      %get3A_725 = arith.index_cast %multiple_of3A : i32 to index
      %get3A_726 = tpu.vector_load %arg9[%get3A_724, %get3A_725] {strides = array<i32>} : memref<32x768xf32, #tpu.memory_space<vmem>>, vector<16xf32>,
      %get3A_727 = arith.constant 3 : i32
      %get3A_728 = arith.index_cast %get3A_727 : i32 to index
      %get3A_729 = arith.index_cast %multiple_of3A : i32 to index
      %get3A_730 = tpu.vector_load %arg10[%get3A_728, %get3A_729] {strides = array<i32>} : memref<32x768xf32, #tpu.memory_space<vmem>>, vector<16xf32>,
      %mul3A_731 = arith.mulf %get3A_726, %get3A_730 : vector<16xf32>
      %add3A_732 = arith.addf %scan3A_720, %mul3A_731 : vector<16xf32>
      scf.yield %add3A_732 : vector<16xf32>
    }
    %scan3A_87 = arith.constant 48 : i32
    %eq3A_88 = arith.constant 3 : i32
    %eq3A_89 = vector.broadcast %eq3A_88 : i32 to vector<16xi32>
    %eq3A_90 = arith.cmpi eq, %iota3A, %eq3A_89 : vector<16xi32>
    %reduce_sum3A_91 = arith.constant true
    %reduce_sum3A_92 = vector.broadcast %reduce_sum3A_91 : i1 to vector<16xi1>
    %reduce_sum3A_93 = tpu.scan <sum>, %scan3A_86 masked %reduce_sum3A_92 : vector<16xf32>, vector<16xi1> -> vector<16xf32>
    %reduce_sum3A_94 = vector.extract %reduce_sum3A_93[15] : f32 from vector<16xf32>
    %jit3A_95 = arith.constant 0.000000e+00 : f32
    %broadcast_in_dim3A_96 = vector.broadcast %reduce_sum3A_94 : f32 to vector<16xf32>
    %broadcast_in_dim3A_97 = vector.broadcast %jit3A_95 : f32 to vector<16xf32>
    %select_n3A_98 = arith.select %eq3A_90, %broadcast_in_dim3A_96, %broadcast_in_dim3A_97 : vector<16xi1>, vector<16xf32>
    %add3A_99 = arith.addf %add3A_79, %select_n3A_98 : vector<16xf32>
    %broadcast_in_dim3A_100 = arith.constant 0.000000e+00 : f32
    %broadcast_in_dim3A_101 = vector.broadcast %broadcast_in_dim3A_100 : f32 to vector<16xf32>
    %scan3A_102 = arith.constant 0 : i32
    %scan3A_103 = arith.constant 48 : i32
    %scan3A_104 = arith.addi %scan3A_102, %scan3A_103 : i32
    %scan3A_105 = arith.constant 1 : i32
    %scan3A_106 = scf.for %scan3A_719 = %scan3A_102 to %scan3A_104 step %scan3A_105 iter_args(%scan3A_720 = %broadcast_in_dim3A_101) -> (vector<16xf32>)  : i32 {
      %mul3A_721 = arith.constant 16 : i32
      %mul3A_722 = arith.muli %scan3A_719, %mul3A_721 : i32
      %multiple_of3A = tpu.assume_multiple %mul3A_722, 16 : i32
      %get3A_723 = arith.constant 4 : i32
      %get3A_724 = arith.index_cast %get3A_723 : i32 to index
      %get3A_725 = arith.index_cast %multiple_of3A : i32 to index
      %get3A_726 = tpu.vector_load %arg9[%get3A_724, %get3A_725] {strides = array<i32>} : memref<32x768xf32, #tpu.memory_space<vmem>>, vector<16xf32>,
      %get3A_727 = arith.constant 4 : i32
      %get3A_728 = arith.index_cast %get3A_727 : i32 to index
      %get3A_729 = arith.index_cast %multiple_of3A : i32 to index
      %get3A_730 = tpu.vector_load %arg10[%get3A_728, %get3A_729] {strides = array<i32>} : memref<32x768xf32, #tpu.memory_space<vmem>>, vector<16xf32>,
      %mul3A_731 = arith.mulf %get3A_726, %get3A_730 : vector<16xf32>
      %add3A_732 = arith.addf %scan3A_720, %mul3A_731 : vector<16xf32>
      scf.yield %add3A_732 : vector<16xf32>
    }
    %scan3A_107 = arith.constant 48 : i32
    %eq3A_108 = arith.constant 4 : i32
    %eq3A_109 = vector.broadcast %eq3A_108 : i32 to vector<16xi32>
    %eq3A_110 = arith.cmpi eq, %iota3A, %eq3A_109 : vector<16xi32>
    %reduce_sum3A_111 = arith.constant true
    %reduce_sum3A_112 = vector.broadcast %reduce_sum3A_111 : i1 to vector<16xi1>
    %reduce_sum3A_113 = tpu.scan <sum>, %scan3A_106 masked %reduce_sum3A_112 : vector<16xf32>, vector<16xi1> -> vector<16xf32>
    %reduce_sum3A_114 = vector.extract %reduce_sum3A_113[15] : f32 from vector<16xf32>
    %jit3A_115 = arith.constant 0.000000e+00 : f32
    %broadcast_in_dim3A_116 = vector.broadcast %reduce_sum3A_114 : f32 to vector<16xf32>
    %broadcast_in_dim3A_117 = vector.broadcast %jit3A_115 : f32 to vector<16xf32>
    %select_n3A_118 = arith.select %eq3A_110, %broadcast_in_dim3A_116, %broadcast_in_dim3A_117 : vector<16xi1>, vector<16xf32>
    %add3A_119 = arith.addf %add3A_99, %select_n3A_118 : vector<16xf32>
    %broadcast_in_dim3A_120 = arith.constant 0.000000e+00 : f32
    %broadcast_in_dim3A_121 = vector.broadcast %broadcast_in_dim3A_120 : f32 to vector<16xf32>
    %scan3A_122 = arith.constant 0 : i32
    %scan3A_123 = arith.constant 48 : i32
    %scan3A_124 = arith.addi %scan3A_122, %scan3A_123 : i32
    %scan3A_125 = arith.constant 1 : i32
    %scan3A_126 = scf.for %scan3A_719 = %scan3A_122 to %scan3A_124 step %scan3A_125 iter_args(%scan3A_720 = %broadcast_in_dim3A_121) -> (vector<16xf32>)  : i32 {
      %mul3A_721 = arith.constant 16 : i32
      %mul3A_722 = arith.muli %scan3A_719, %mul3A_721 : i32
      %multiple_of3A = tpu.assume_multiple %mul3A_722, 16 : i32
      %get3A_723 = arith.constant 5 : i32
      %get3A_724 = arith.index_cast %get3A_723 : i32 to index
      %get3A_725 = arith.index_cast %multiple_of3A : i32 to index
      %get3A_726 = tpu.vector_load %arg9[%get3A_724, %get3A_725] {strides = array<i32>} : memref<32x768xf32, #tpu.memory_space<vmem>>, vector<16xf32>,
      %get3A_727 = arith.constant 5 : i32
      %get3A_728 = arith.index_cast %get3A_727 : i32 to index
      %get3A_729 = arith.index_cast %multiple_of3A : i32 to index
      %get3A_730 = tpu.vector_load %arg10[%get3A_728, %get3A_729] {strides = array<i32>} : memref<32x768xf32, #tpu.memory_space<vmem>>, vector<16xf32>,
      %mul3A_731 = arith.mulf %get3A_726, %get3A_730 : vector<16xf32>
      %add3A_732 = arith.addf %scan3A_720, %mul3A_731 : vector<16xf32>
      scf.yield %add3A_732 : vector<16xf32>
    }
    %scan3A_127 = arith.constant 48 : i32
    %eq3A_128 = arith.constant 5 : i32
    %eq3A_129 = vector.broadcast %eq3A_128 : i32 to vector<16xi32>
    %eq3A_130 = arith.cmpi eq, %iota3A, %eq3A_129 : vector<16xi32>
    %reduce_sum3A_131 = arith.constant true
    %reduce_sum3A_132 = vector.broadcast %reduce_sum3A_131 : i1 to vector<16xi1>
    %reduce_sum3A_133 = tpu.scan <sum>, %scan3A_126 masked %reduce_sum3A_132 : vector<16xf32>, vector<16xi1> -> vector<16xf32>
    %reduce_sum3A_134 = vector.extract %reduce_sum3A_133[15] : f32 from vector<16xf32>
    %jit3A_135 = arith.constant 0.000000e+00 : f32
    %broadcast_in_dim3A_136 = vector.broadcast %reduce_sum3A_134 : f32 to vector<16xf32>
    %broadcast_in_dim3A_137 = vector.broadcast %jit3A_135 : f32 to vector<16xf32>
    %select_n3A_138 = arith.select %eq3A_130, %broadcast_in_dim3A_136, %broadcast_in_dim3A_137 : vector<16xi1>, vector<16xf32>
    %add3A_139 = arith.addf %add3A_119, %select_n3A_138 : vector<16xf32>
    %broadcast_in_dim3A_140 = arith.constant 0.000000e+00 : f32
    %broadcast_in_dim3A_141 = vector.broadcast %broadcast_in_dim3A_140 : f32 to vector<16xf32>
    %scan3A_142 = arith.constant 0 : i32
    %scan3A_143 = arith.constant 48 : i32
    %scan3A_144 = arith.addi %scan3A_142, %scan3A_143 : i32
    %scan3A_145 = arith.constant 1 : i32
    %scan3A_146 = scf.for %scan3A_719 = %scan3A_142 to %scan3A_144 step %scan3A_145 iter_args(%scan3A_720 = %broadcast_in_dim3A_141) -> (vector<16xf32>)  : i32 {
      %mul3A_721 = arith.constant 16 : i32
      %mul3A_722 = arith.muli %scan3A_719, %mul3A_721 : i32
      %multiple_of3A = tpu.assume_multiple %mul3A_722, 16 : i32
      %get3A_723 = arith.constant 6 : i32
      %get3A_724 = arith.index_cast %get3A_723 : i32 to index
      %get3A_725 = arith.index_cast %multiple_of3A : i32 to index
      %get3A_726 = tpu.vector_load %arg9[%get3A_724, %get3A_725] {strides = array<i32>} : memref<32x768xf32, #tpu.memory_space<vmem>>, vector<16xf32>,
      %get3A_727 = arith.constant 6 : i32
      %get3A_728 = arith.index_cast %get3A_727 : i32 to index
      %get3A_729 = arith.index_cast %multiple_of3A : i32 to index
      %get3A_730 = tpu.vector_load %arg10[%get3A_728, %get3A_729] {strides = array<i32>} : memref<32x768xf32, #tpu.memory_space<vmem>>, vector<16xf32>,
      %mul3A_731 = arith.mulf %get3A_726, %get3A_730 : vector<16xf32>
      %add3A_732 = arith.addf %scan3A_720, %mul3A_731 : vector<16xf32>
      scf.yield %add3A_732 : vector<16xf32>
    }
    %scan3A_147 = arith.constant 48 : i32
    %eq3A_148 = arith.constant 6 : i32
    %eq3A_149 = vector.broadcast %eq3A_148 : i32 to vector<16xi32>
    %eq3A_150 = arith.cmpi eq, %iota3A, %eq3A_149 : vector<16xi32>
    %reduce_sum3A_151 = arith.constant true
    %reduce_sum3A_152 = vector.broadcast %reduce_sum3A_151 : i1 to vector<16xi1>
    %reduce_sum3A_153 = tpu.scan <sum>, %scan3A_146 masked %reduce_sum3A_152 : vector<16xf32>, vector<16xi1> -> vector<16xf32>
    %reduce_sum3A_154 = vector.extract %reduce_sum3A_153[15] : f32 from vector<16xf32>
    %jit3A_155 = arith.constant 0.000000e+00 : f32
    %broadcast_in_dim3A_156 = vector.broadcast %reduce_sum3A_154 : f32 to vector<16xf32>
    %broadcast_in_dim3A_157 = vector.broadcast %jit3A_155 : f32 to vector<16xf32>
    %select_n3A_158 = arith.select %eq3A_150, %broadcast_in_dim3A_156, %broadcast_in_dim3A_157 : vector<16xi1>, vector<16xf32>
    %add3A_159 = arith.addf %add3A_139, %select_n3A_158 : vector<16xf32>
    %broadcast_in_dim3A_160 = arith.constant 0.000000e+00 : f32
    %broadcast_in_dim3A_161 = vector.broadcast %broadcast_in_dim3A_160 : f32 to vector<16xf32>
    %scan3A_162 = arith.constant 0 : i32
    %scan3A_163 = arith.constant 48 : i32
    %scan3A_164 = arith.addi %scan3A_162, %scan3A_163 : i32
    %scan3A_165 = arith.constant 1 : i32
    %scan3A_166 = scf.for %scan3A_719 = %scan3A_162 to %scan3A_164 step %scan3A_165 iter_args(%scan3A_720 = %broadcast_in_dim3A_161) -> (vector<16xf32>)  : i32 {
      %mul3A_721 = arith.constant 16 : i32
      %mul3A_722 = arith.muli %scan3A_719, %mul3A_721 : i32
      %multiple_of3A = tpu.assume_multiple %mul3A_722, 16 : i32
      %get3A_723 = arith.constant 7 : i32
      %get3A_724 = arith.index_cast %get3A_723 : i32 to index
      %get3A_725 = arith.index_cast %multiple_of3A : i32 to index
      %get3A_726 = tpu.vector_load %arg9[%get3A_724, %get3A_725] {strides = array<i32>} : memref<32x768xf32, #tpu.memory_space<vmem>>, vector<16xf32>,
      %get3A_727 = arith.constant 7 : i32
      %get3A_728 = arith.index_cast %get3A_727 : i32 to index
      %get3A_729 = arith.index_cast %multiple_of3A : i32 to index
      %get3A_730 = tpu.vector_load %arg10[%get3A_728, %get3A_729] {strides = array<i32>} : memref<32x768xf32, #tpu.memory_space<vmem>>, vector<16xf32>,
      %mul3A_731 = arith.mulf %get3A_726, %get3A_730 : vector<16xf32>
      %add3A_732 = arith.addf %scan3A_720, %mul3A_731 : vector<16xf32>
      scf.yield %add3A_732 : vector<16xf32>
    }
    %scan3A_167 = arith.constant 48 : i32
    %eq3A_168 = arith.constant 7 : i32
    %eq3A_169 = vector.broadcast %eq3A_168 : i32 to vector<16xi32>
    %eq3A_170 = arith.cmpi eq, %iota3A, %eq3A_169 : vector<16xi32>
    %reduce_sum3A_171 = arith.constant true
    %reduce_sum3A_172 = vector.broadcast %reduce_sum3A_171 : i1 to vector<16xi1>
    %reduce_sum3A_173 = tpu.scan <sum>, %scan3A_166 masked %reduce_sum3A_172 : vector<16xf32>, vector<16xi1> -> vector<16xf32>
    %reduce_sum3A_174 = vector.extract %reduce_sum3A_173[15] : f32 from vector<16xf32>
    %jit3A_175 = arith.constant 0.000000e+00 : f32
    %broadcast_in_dim3A_176 = vector.broadcast %reduce_sum3A_174 : f32 to vector<16xf32>
    %broadcast_in_dim3A_177 = vector.broadcast %jit3A_175 : f32 to vector<16xf32>
    %select_n3A_178 = arith.select %eq3A_170, %broadcast_in_dim3A_176, %broadcast_in_dim3A_177 : vector<16xi1>, vector<16xf32>
    %add3A_179 = arith.addf %add3A_159, %select_n3A_178 : vector<16xf32>
    %broadcast_in_dim3A_180 = arith.constant 0.000000e+00 : f32
    %broadcast_in_dim3A_181 = vector.broadcast %broadcast_in_dim3A_180 : f32 to vector<16xf32>
    %scan3A_182 = arith.constant 0 : i32
    %scan3A_183 = arith.constant 48 : i32
    %scan3A_184 = arith.addi %scan3A_182, %scan3A_183 : i32
    %scan3A_185 = arith.constant 1 : i32
    %scan3A_186 = scf.for %scan3A_719 = %scan3A_182 to %scan3A_184 step %scan3A_185 iter_args(%scan3A_720 = %broadcast_in_dim3A_181) -> (vector<16xf32>)  : i32 {
      %mul3A_721 = arith.constant 16 : i32
      %mul3A_722 = arith.muli %scan3A_719, %mul3A_721 : i32
      %multiple_of3A = tpu.assume_multiple %mul3A_722, 16 : i32
      %get3A_723 = arith.constant 8 : i32
      %get3A_724 = arith.index_cast %get3A_723 : i32 to index
      %get3A_725 = arith.index_cast %multiple_of3A : i32 to index
      %get3A_726 = tpu.vector_load %arg9[%get3A_724, %get3A_725] {strides = array<i32>} : memref<32x768xf32, #tpu.memory_space<vmem>>, vector<16xf32>,
      %get3A_727 = arith.constant 8 : i32
      %get3A_728 = arith.index_cast %get3A_727 : i32 to index
      %get3A_729 = arith.index_cast %multiple_of3A : i32 to index
      %get3A_730 = tpu.vector_load %arg10[%get3A_728, %get3A_729] {strides = array<i32>} : memref<32x768xf32, #tpu.memory_space<vmem>>, vector<16xf32>,
      %mul3A_731 = arith.mulf %get3A_726, %get3A_730 : vector<16xf32>
      %add3A_732 = arith.addf %scan3A_720, %mul3A_731 : vector<16xf32>
      scf.yield %add3A_732 : vector<16xf32>
    }
    %scan3A_187 = arith.constant 48 : i32
    %eq3A_188 = arith.constant 8 : i32
    %eq3A_189 = vector.broadcast %eq3A_188 : i32 to vector<16xi32>
    %eq3A_190 = arith.cmpi eq, %iota3A, %eq3A_189 : vector<16xi32>
    %reduce_sum3A_191 = arith.constant true
    %reduce_sum3A_192 = vector.broadcast %reduce_sum3A_191 : i1 to vector<16xi1>
    %reduce_sum3A_193 = tpu.scan <sum>, %scan3A_186 masked %reduce_sum3A_192 : vector<16xf32>, vector<16xi1> -> vector<16xf32>
    %reduce_sum3A_194 = vector.extract %reduce_sum3A_193[15] : f32 from vector<16xf32>
    %jit3A_195 = arith.constant 0.000000e+00 : f32
    %broadcast_in_dim3A_196 = vector.broadcast %reduce_sum3A_194 : f32 to vector<16xf32>
    %broadcast_in_dim3A_197 = vector.broadcast %jit3A_195 : f32 to vector<16xf32>
    %select_n3A_198 = arith.select %eq3A_190, %broadcast_in_dim3A_196, %broadcast_in_dim3A_197 : vector<16xi1>, vector<16xf32>
    %add3A_199 = arith.addf %add3A_179, %select_n3A_198 : vector<16xf32>
    %broadcast_in_dim3A_200 = arith.constant 0.000000e+00 : f32
    %broadcast_in_dim3A_201 = vector.broadcast %broadcast_in_dim3A_200 : f32 to vector<16xf32>
    %scan3A_202 = arith.constant 0 : i32
    %scan3A_203 = arith.constant 48 : i32
    %scan3A_204 = arith.addi %scan3A_202, %scan3A_203 : i32
    %scan3A_205 = arith.constant 1 : i32
    %scan3A_206 = scf.for %scan3A_719 = %scan3A_202 to %scan3A_204 step %scan3A_205 iter_args(%scan3A_720 = %broadcast_in_dim3A_201) -> (vector<16xf32>)  : i32 {
      %mul3A_721 = arith.constant 16 : i32
      %mul3A_722 = arith.muli %scan3A_719, %mul3A_721 : i32
      %multiple_of3A = tpu.assume_multiple %mul3A_722, 16 : i32
      %get3A_723 = arith.constant 9 : i32
      %get3A_724 = arith.index_cast %get3A_723 : i32 to index
      %get3A_725 = arith.index_cast %multiple_of3A : i32 to index
      %get3A_726 = tpu.vector_load %arg9[%get3A_724, %get3A_725] {strides = array<i32>} : memref<32x768xf32, #tpu.memory_space<vmem>>, vector<16xf32>,
      %get3A_727 = arith.constant 9 : i32
      %get3A_728 = arith.index_cast %get3A_727 : i32 to index
      %get3A_729 = arith.index_cast %multiple_of3A : i32 to index
      %get3A_730 = tpu.vector_load %arg10[%get3A_728, %get3A_729] {strides = array<i32>} : memref<32x768xf32, #tpu.memory_space<vmem>>, vector<16xf32>,
      %mul3A_731 = arith.mulf %get3A_726, %get3A_730 : vector<16xf32>
      %add3A_732 = arith.addf %scan3A_720, %mul3A_731 : vector<16xf32>
      scf.yield %add3A_732 : vector<16xf32>
    }
    %scan3A_207 = arith.constant 48 : i32
    %eq3A_208 = arith.constant 9 : i32
    %eq3A_209 = vector.broadcast %eq3A_208 : i32 to vector<16xi32>
    %eq3A_210 = arith.cmpi eq, %iota3A, %eq3A_209 : vector<16xi32>
    %reduce_sum3A_211 = arith.constant true
    %reduce_sum3A_212 = vector.broadcast %reduce_sum3A_211 : i1 to vector<16xi1>
    %reduce_sum3A_213 = tpu.scan <sum>, %scan3A_206 masked %reduce_sum3A_212 : vector<16xf32>, vector<16xi1> -> vector<16xf32>
    %reduce_sum3A_214 = vector.extract %reduce_sum3A_213[15] : f32 from vector<16xf32>
    %jit3A_215 = arith.constant 0.000000e+00 : f32
    %broadcast_in_dim3A_216 = vector.broadcast %reduce_sum3A_214 : f32 to vector<16xf32>
    %broadcast_in_dim3A_217 = vector.broadcast %jit3A_215 : f32 to vector<16xf32>
    %select_n3A_218 = arith.select %eq3A_210, %broadcast_in_dim3A_216, %broadcast_in_dim3A_217 : vector<16xi1>, vector<16xf32>
    %add3A_219 = arith.addf %add3A_199, %select_n3A_218 : vector<16xf32>
    %broadcast_in_dim3A_220 = arith.constant 0.000000e+00 : f32
    %broadcast_in_dim3A_221 = vector.broadcast %broadcast_in_dim3A_220 : f32 to vector<16xf32>
    %scan3A_222 = arith.constant 0 : i32
    %scan3A_223 = arith.constant 48 : i32
    %scan3A_224 = arith.addi %scan3A_222, %scan3A_223 : i32
    %scan3A_225 = arith.constant 1 : i32
    %scan3A_226 = scf.for %scan3A_719 = %scan3A_222 to %scan3A_224 step %scan3A_225 iter_args(%scan3A_720 = %broadcast_in_dim3A_221) -> (vector<16xf32>)  : i32 {
      %mul3A_721 = arith.constant 16 : i32
      %mul3A_722 = arith.muli %scan3A_719, %mul3A_721 : i32
      %multiple_of3A = tpu.assume_multiple %mul3A_722, 16 : i32
      %get3A_723 = arith.constant 10 : i32
      %get3A_724 = arith.index_cast %get3A_723 : i32 to index
      %get3A_725 = arith.index_cast %multiple_of3A : i32 to index
      %get3A_726 = tpu.vector_load %arg9[%get3A_724, %get3A_725] {strides = array<i32>} : memref<32x768xf32, #tpu.memory_space<vmem>>, vector<16xf32>,
      %get3A_727 = arith.constant 10 : i32
      %get3A_728 = arith.index_cast %get3A_727 : i32 to index
      %get3A_729 = arith.index_cast %multiple_of3A : i32 to index
      %get3A_730 = tpu.vector_load %arg10[%get3A_728, %get3A_729] {strides = array<i32>} : memref<32x768xf32, #tpu.memory_space<vmem>>, vector<16xf32>,
      %mul3A_731 = arith.mulf %get3A_726, %get3A_730 : vector<16xf32>
      %add3A_732 = arith.addf %scan3A_720, %mul3A_731 : vector<16xf32>
      scf.yield %add3A_732 : vector<16xf32>
    }
    %scan3A_227 = arith.constant 48 : i32
    %eq3A_228 = arith.constant 10 : i32
    %eq3A_229 = vector.broadcast %eq3A_228 : i32 to vector<16xi32>
    %eq3A_230 = arith.cmpi eq, %iota3A, %eq3A_229 : vector<16xi32>
    %reduce_sum3A_231 = arith.constant true
    %reduce_sum3A_232 = vector.broadcast %reduce_sum3A_231 : i1 to vector<16xi1>
    %reduce_sum3A_233 = tpu.scan <sum>, %scan3A_226 masked %reduce_sum3A_232 : vector<16xf32>, vector<16xi1> -> vector<16xf32>
    %reduce_sum3A_234 = vector.extract %reduce_sum3A_233[15] : f32 from vector<16xf32>
    %jit3A_235 = arith.constant 0.000000e+00 : f32
    %broadcast_in_dim3A_236 = vector.broadcast %reduce_sum3A_234 : f32 to vector<16xf32>
    %broadcast_in_dim3A_237 = vector.broadcast %jit3A_235 : f32 to vector<16xf32>
    %select_n3A_238 = arith.select %eq3A_230, %broadcast_in_dim3A_236, %broadcast_in_dim3A_237 : vector<16xi1>, vector<16xf32>
    %add3A_239 = arith.addf %add3A_219, %select_n3A_238 : vector<16xf32>
    %broadcast_in_dim3A_240 = arith.constant 0.000000e+00 : f32
    %broadcast_in_dim3A_241 = vector.broadcast %broadcast_in_dim3A_240 : f32 to vector<16xf32>
    %scan3A_242 = arith.constant 0 : i32
    %scan3A_243 = arith.constant 48 : i32
    %scan3A_244 = arith.addi %scan3A_242, %scan3A_243 : i32
    %scan3A_245 = arith.constant 1 : i32
    %scan3A_246 = scf.for %scan3A_719 = %scan3A_242 to %scan3A_244 step %scan3A_245 iter_args(%scan3A_720 = %broadcast_in_dim3A_241) -> (vector<16xf32>)  : i32 {
      %mul3A_721 = arith.constant 16 : i32
      %mul3A_722 = arith.muli %scan3A_719, %mul3A_721 : i32
      %multiple_of3A = tpu.assume_multiple %mul3A_722, 16 : i32
      %get3A_723 = arith.constant 11 : i32
      %get3A_724 = arith.index_cast %get3A_723 : i32 to index
      %get3A_725 = arith.index_cast %multiple_of3A : i32 to index
      %get3A_726 = tpu.vector_load %arg9[%get3A_724, %get3A_725] {strides = array<i32>} : memref<32x768xf32, #tpu.memory_space<vmem>>, vector<16xf32>,
      %get3A_727 = arith.constant 11 : i32
      %get3A_728 = arith.index_cast %get3A_727 : i32 to index
      %get3A_729 = arith.index_cast %multiple_of3A : i32 to index
      %get3A_730 = tpu.vector_load %arg10[%get3A_728, %get3A_729] {strides = array<i32>} : memref<32x768xf32, #tpu.memory_space<vmem>>, vector<16xf32>,
      %mul3A_731 = arith.mulf %get3A_726, %get3A_730 : vector<16xf32>
      %add3A_732 = arith.addf %scan3A_720, %mul3A_731 : vector<16xf32>
      scf.yield %add3A_732 : vector<16xf32>
    }
    %scan3A_247 = arith.constant 48 : i32
    %eq3A_248 = arith.constant 11 : i32
    %eq3A_249 = vector.broadcast %eq3A_248 : i32 to vector<16xi32>
    %eq3A_250 = arith.cmpi eq, %iota3A, %eq3A_249 : vector<16xi32>
    %reduce_sum3A_251 = arith.constant true
    %reduce_sum3A_252 = vector.broadcast %reduce_sum3A_251 : i1 to vector<16xi1>
    %reduce_sum3A_253 = tpu.scan <sum>, %scan3A_246 masked %reduce_sum3A_252 : vector<16xf32>, vector<16xi1> -> vector<16xf32>
    %reduce_sum3A_254 = vector.extract %reduce_sum3A_253[15] : f32 from vector<16xf32>
    %jit3A_255 = arith.constant 0.000000e+00 : f32
    %broadcast_in_dim3A_256 = vector.broadcast %reduce_sum3A_254 : f32 to vector<16xf32>
    %broadcast_in_dim3A_257 = vector.broadcast %jit3A_255 : f32 to vector<16xf32>
    %select_n3A_258 = arith.select %eq3A_250, %broadcast_in_dim3A_256, %broadcast_in_dim3A_257 : vector<16xi1>, vector<16xf32>
    %add3A_259 = arith.addf %add3A_239, %select_n3A_258 : vector<16xf32>
    %broadcast_in_dim3A_260 = arith.constant 0.000000e+00 : f32
    %broadcast_in_dim3A_261 = vector.broadcast %broadcast_in_dim3A_260 : f32 to vector<16xf32>
    %scan3A_262 = arith.constant 0 : i32
    %scan3A_263 = arith.constant 48 : i32
    %scan3A_264 = arith.addi %scan3A_262, %scan3A_263 : i32
    %scan3A_265 = arith.constant 1 : i32
    %scan3A_266 = scf.for %scan3A_719 = %scan3A_262 to %scan3A_264 step %scan3A_265 iter_args(%scan3A_720 = %broadcast_in_dim3A_261) -> (vector<16xf32>)  : i32 {
      %mul3A_721 = arith.constant 16 : i32
      %mul3A_722 = arith.muli %scan3A_719, %mul3A_721 : i32
      %multiple_of3A = tpu.assume_multiple %mul3A_722, 16 : i32
      %get3A_723 = arith.constant 12 : i32
      %get3A_724 = arith.index_cast %get3A_723 : i32 to index
      %get3A_725 = arith.index_cast %multiple_of3A : i32 to index
      %get3A_726 = tpu.vector_load %arg9[%get3A_724, %get3A_725] {strides = array<i32>} : memref<32x768xf32, #tpu.memory_space<vmem>>, vector<16xf32>,
      %get3A_727 = arith.constant 12 : i32
      %get3A_728 = arith.index_cast %get3A_727 : i32 to index
      %get3A_729 = arith.index_cast %multiple_of3A : i32 to index
      %get3A_730 = tpu.vector_load %arg10[%get3A_728, %get3A_729] {strides = array<i32>} : memref<32x768xf32, #tpu.memory_space<vmem>>, vector<16xf32>,
      %mul3A_731 = arith.mulf %get3A_726, %get3A_730 : vector<16xf32>
      %add3A_732 = arith.addf %scan3A_720, %mul3A_731 : vector<16xf32>
      scf.yield %add3A_732 : vector<16xf32>
    }
    %scan3A_267 = arith.constant 48 : i32
    %eq3A_268 = arith.constant 12 : i32
    %eq3A_269 = vector.broadcast %eq3A_268 : i32 to vector<16xi32>
    %eq3A_270 = arith.cmpi eq, %iota3A, %eq3A_269 : vector<16xi32>
    %reduce_sum3A_271 = arith.constant true
    %reduce_sum3A_272 = vector.broadcast %reduce_sum3A_271 : i1 to vector<16xi1>
    %reduce_sum3A_273 = tpu.scan <sum>, %scan3A_266 masked %reduce_sum3A_272 : vector<16xf32>, vector<16xi1> -> vector<16xf32>
    %reduce_sum3A_274 = vector.extract %reduce_sum3A_273[15] : f32 from vector<16xf32>
    %jit3A_275 = arith.constant 0.000000e+00 : f32
    %broadcast_in_dim3A_276 = vector.broadcast %reduce_sum3A_274 : f32 to vector<16xf32>
    %broadcast_in_dim3A_277 = vector.broadcast %jit3A_275 : f32 to vector<16xf32>
    %select_n3A_278 = arith.select %eq3A_270, %broadcast_in_dim3A_276, %broadcast_in_dim3A_277 : vector<16xi1>, vector<16xf32>
    %add3A_279 = arith.addf %add3A_259, %select_n3A_278 : vector<16xf32>
    %broadcast_in_dim3A_280 = arith.constant 0.000000e+00 : f32
    %broadcast_in_dim3A_281 = vector.broadcast %broadcast_in_dim3A_280 : f32 to vector<16xf32>
    %scan3A_282 = arith.constant 0 : i32
    %scan3A_283 = arith.constant 48 : i32
    %scan3A_284 = arith.addi %scan3A_282, %scan3A_283 : i32
    %scan3A_285 = arith.constant 1 : i32
    %scan3A_286 = scf.for %scan3A_719 = %scan3A_282 to %scan3A_284 step %scan3A_285 iter_args(%scan3A_720 = %broadcast_in_dim3A_281) -> (vector<16xf32>)  : i32 {
      %mul3A_721 = arith.constant 16 : i32
      %mul3A_722 = arith.muli %scan3A_719, %mul3A_721 : i32
      %multiple_of3A = tpu.assume_multiple %mul3A_722, 16 : i32
      %get3A_723 = arith.constant 13 : i32
      %get3A_724 = arith.index_cast %get3A_723 : i32 to index
      %get3A_725 = arith.index_cast %multiple_of3A : i32 to index
      %get3A_726 = tpu.vector_load %arg9[%get3A_724, %get3A_725] {strides = array<i32>} : memref<32x768xf32, #tpu.memory_space<vmem>>, vector<16xf32>,
      %get3A_727 = arith.constant 13 : i32
      %get3A_728 = arith.index_cast %get3A_727 : i32 to index
      %get3A_729 = arith.index_cast %multiple_of3A : i32 to index
      %get3A_730 = tpu.vector_load %arg10[%get3A_728, %get3A_729] {strides = array<i32>} : memref<32x768xf32, #tpu.memory_space<vmem>>, vector<16xf32>,
      %mul3A_731 = arith.mulf %get3A_726, %get3A_730 : vector<16xf32>
      %add3A_732 = arith.addf %scan3A_720, %mul3A_731 : vector<16xf32>
      scf.yield %add3A_732 : vector<16xf32>
    }
    %scan3A_287 = arith.constant 48 : i32
    %eq3A_288 = arith.constant 13 : i32
    %eq3A_289 = vector.broadcast %eq3A_288 : i32 to vector<16xi32>
    %eq3A_290 = arith.cmpi eq, %iota3A, %eq3A_289 : vector<16xi32>
    %reduce_sum3A_291 = arith.constant true
    %reduce_sum3A_292 = vector.broadcast %reduce_sum3A_291 : i1 to vector<16xi1>
    %reduce_sum3A_293 = tpu.scan <sum>, %scan3A_286 masked %reduce_sum3A_292 : vector<16xf32>, vector<16xi1> -> vector<16xf32>
    %reduce_sum3A_294 = vector.extract %reduce_sum3A_293[15] : f32 from vector<16xf32>
    %jit3A_295 = arith.constant 0.000000e+00 : f32
    %broadcast_in_dim3A_296 = vector.broadcast %reduce_sum3A_294 : f32 to vector<16xf32>
    %broadcast_in_dim3A_297 = vector.broadcast %jit3A_295 : f32 to vector<16xf32>
    %select_n3A_298 = arith.select %eq3A_290, %broadcast_in_dim3A_296, %broadcast_in_dim3A_297 : vector<16xi1>, vector<16xf32>
    %add3A_299 = arith.addf %add3A_279, %select_n3A_298 : vector<16xf32>
    %broadcast_in_dim3A_300 = arith.constant 0.000000e+00 : f32
    %broadcast_in_dim3A_301 = vector.broadcast %broadcast_in_dim3A_300 : f32 to vector<16xf32>
    %scan3A_302 = arith.constant 0 : i32
    %scan3A_303 = arith.constant 48 : i32
    %scan3A_304 = arith.addi %scan3A_302, %scan3A_303 : i32
    %scan3A_305 = arith.constant 1 : i32
    %scan3A_306 = scf.for %scan3A_719 = %scan3A_302 to %scan3A_304 step %scan3A_305 iter_args(%scan3A_720 = %broadcast_in_dim3A_301) -> (vector<16xf32>)  : i32 {
      %mul3A_721 = arith.constant 16 : i32
      %mul3A_722 = arith.muli %scan3A_719, %mul3A_721 : i32
      %multiple_of3A = tpu.assume_multiple %mul3A_722, 16 : i32
      %get3A_723 = arith.constant 14 : i32
      %get3A_724 = arith.index_cast %get3A_723 : i32 to index
      %get3A_725 = arith.index_cast %multiple_of3A : i32 to index
      %get3A_726 = tpu.vector_load %arg9[%get3A_724, %get3A_725] {strides = array<i32>} : memref<32x768xf32, #tpu.memory_space<vmem>>, vector<16xf32>,
      %get3A_727 = arith.constant 14 : i32
      %get3A_728 = arith.index_cast %get3A_727 : i32 to index
      %get3A_729 = arith.index_cast %multiple_of3A : i32 to index
      %get3A_730 = tpu.vector_load %arg10[%get3A_728, %get3A_729] {strides = array<i32>} : memref<32x768xf32, #tpu.memory_space<vmem>>, vector<16xf32>,
      %mul3A_731 = arith.mulf %get3A_726, %get3A_730 : vector<16xf32>
      %add3A_732 = arith.addf %scan3A_720, %mul3A_731 : vector<16xf32>
      scf.yield %add3A_732 : vector<16xf32>
    }
    %scan3A_307 = arith.constant 48 : i32
    %eq3A_308 = arith.constant 14 : i32
    %eq3A_309 = vector.broadcast %eq3A_308 : i32 to vector<16xi32>
    %eq3A_310 = arith.cmpi eq, %iota3A, %eq3A_309 : vector<16xi32>
    %reduce_sum3A_311 = arith.constant true
    %reduce_sum3A_312 = vector.broadcast %reduce_sum3A_311 : i1 to vector<16xi1>
    %reduce_sum3A_313 = tpu.scan <sum>, %scan3A_306 masked %reduce_sum3A_312 : vector<16xf32>, vector<16xi1> -> vector<16xf32>
    %reduce_sum3A_314 = vector.extract %reduce_sum3A_313[15] : f32 from vector<16xf32>
    %jit3A_315 = arith.constant 0.000000e+00 : f32
    %broadcast_in_dim3A_316 = vector.broadcast %reduce_sum3A_314 : f32 to vector<16xf32>
    %broadcast_in_dim3A_317 = vector.broadcast %jit3A_315 : f32 to vector<16xf32>
    %select_n3A_318 = arith.select %eq3A_310, %broadcast_in_dim3A_316, %broadcast_in_dim3A_317 : vector<16xi1>, vector<16xf32>
    %add3A_319 = arith.addf %add3A_299, %select_n3A_318 : vector<16xf32>
    %broadcast_in_dim3A_320 = arith.constant 0.000000e+00 : f32
    %broadcast_in_dim3A_321 = vector.broadcast %broadcast_in_dim3A_320 : f32 to vector<16xf32>
    %scan3A_322 = arith.constant 0 : i32
    %scan3A_323 = arith.constant 48 : i32
    %scan3A_324 = arith.addi %scan3A_322, %scan3A_323 : i32
    %scan3A_325 = arith.constant 1 : i32
    %scan3A_326 = scf.for %scan3A_719 = %scan3A_322 to %scan3A_324 step %scan3A_325 iter_args(%scan3A_720 = %broadcast_in_dim3A_321) -> (vector<16xf32>)  : i32 {
      %mul3A_721 = arith.constant 16 : i32
      %mul3A_722 = arith.muli %scan3A_719, %mul3A_721 : i32
      %multiple_of3A = tpu.assume_multiple %mul3A_722, 16 : i32
      %get3A_723 = arith.constant 15 : i32
      %get3A_724 = arith.index_cast %get3A_723 : i32 to index
      %get3A_725 = arith.index_cast %multiple_of3A : i32 to index
      %get3A_726 = tpu.vector_load %arg9[%get3A_724, %get3A_725] {strides = array<i32>} : memref<32x768xf32, #tpu.memory_space<vmem>>, vector<16xf32>,
      %get3A_727 = arith.constant 15 : i32
      %get3A_728 = arith.index_cast %get3A_727 : i32 to index
      %get3A_729 = arith.index_cast %multiple_of3A : i32 to index
      %get3A_730 = tpu.vector_load %arg10[%get3A_728, %get3A_729] {strides = array<i32>} : memref<32x768xf32, #tpu.memory_space<vmem>>, vector<16xf32>,
      %mul3A_731 = arith.mulf %get3A_726, %get3A_730 : vector<16xf32>
      %add3A_732 = arith.addf %scan3A_720, %mul3A_731 : vector<16xf32>
      scf.yield %add3A_732 : vector<16xf32>
    }
    %scan3A_327 = arith.constant 48 : i32
    %eq3A_328 = arith.constant 15 : i32
    %eq3A_329 = vector.broadcast %eq3A_328 : i32 to vector<16xi32>
    %eq3A_330 = arith.cmpi eq, %iota3A, %eq3A_329 : vector<16xi32>
    %reduce_sum3A_331 = arith.constant true
    %reduce_sum3A_332 = vector.broadcast %reduce_sum3A_331 : i1 to vector<16xi1>
    %reduce_sum3A_333 = tpu.scan <sum>, %scan3A_326 masked %reduce_sum3A_332 : vector<16xf32>, vector<16xi1> -> vector<16xf32>
    %reduce_sum3A_334 = vector.extract %reduce_sum3A_333[15] : f32 from vector<16xf32>
    %jit3A_335 = arith.constant 0.000000e+00 : f32
    %broadcast_in_dim3A_336 = vector.broadcast %reduce_sum3A_334 : f32 to vector<16xf32>
    %broadcast_in_dim3A_337 = vector.broadcast %jit3A_335 : f32 to vector<16xf32>
    %select_n3A_338 = arith.select %eq3A_330, %broadcast_in_dim3A_336, %broadcast_in_dim3A_337 : vector<16xi1>, vector<16xf32>
    %add3A_339 = arith.addf %add3A_319, %select_n3A_338 : vector<16xf32>
    %get3A_340 = arith.constant 0 : index
    %get3A_341 = tpu.vector_load %arg7[%get3A_340] {strides = array<i32>} : memref<32xi32, #tpu.memory_space<vmem>>, vector<16xi32>,
    %add3A_342 = arith.constant 0 : i32
    %add3A_343 = vector.broadcast %add3A_342 : i32 to vector<16xi32>
    %add3A_344 = arith.addi %add3A_343, %iota3A : vector<16xi32>
    %jit3A_345 = arith.constant 128 : i32
    %eq3A_346 = arith.constant 0 : i32
    %eq3A_347 = arith.cmpi eq, %jit3A_345, %eq3A_346 : i32
    %jit3A_348 = arith.constant 1 : i32
    %select_n3A_349 = arith.select %eq3A_347, %jit3A_348, %jit3A_345 : i32
    %rem3A = vector.broadcast %select_n3A_349 : i32 to vector<16xi32>
    %rem3A_350 = arith.remsi %get3A_341, %rem3A : vector<16xi32>
    %ne3A = arith.constant 0 : i32
    %ne3A_351 = vector.broadcast %ne3A : i32 to vector<16xi32>
    %ne3A_352 = arith.cmpi ne, %rem3A_350, %ne3A_351 : vector<16xi32>
    %lt3A = arith.constant 0 : i32
    %lt3A_353 = vector.broadcast %lt3A : i32 to vector<16xi32>
    %lt3A_354 = arith.cmpi slt, %rem3A_350, %lt3A_353 : vector<16xi32>
    %lt3A_355 = arith.constant 0 : i32
    %lt3A_356 = arith.cmpi slt, %select_n3A_349, %lt3A_355 : i32
    %ne3A_357 = vector.broadcast %lt3A_356 : i1 to vector<16xi1>
    %ne3A_358 = vector.broadcast %ne3A_357 : vector<16xi1> to vector<16xi1>
    %ne3A_359 = arith.xori %lt3A_354, %ne3A_358 : vector<16xi1>
    %and3A = arith.andi %ne3A_359, %ne3A_352 : vector<16xi1>
    %add3A_360 = vector.broadcast %select_n3A_349 : i32 to vector<16xi32>
    %add3A_361 = arith.addi %rem3A_350, %add3A_360 : vector<16xi32>
    %select_n3A_362 = arith.select %and3A, %add3A_361, %rem3A_350 : vector<16xi1>, vector<16xi32>
    %gather3A = tpu.vector_load_idx %arg11[%add3A_344, %select_n3A_362] : memref<32x128xf32, #tpu.memory_space<vmem>>[vector<16xi32>, vector<16xi32>], vector<16xf32>,
    %add3A_363 = arith.addf %add3A_339, %gather3A : vector<16xf32>
    %swap3A_364 = arith.constant 0 : index
    %swap3A_365 = tpu.vector_load %arg12[%swap3A_364] {strides = array<i32>} : memref<32xf32, #tpu.memory_space<vmem>>, vector<16xf32>,
    tpu.vector_store %arg12[%swap3A_364], %add3A_363 {strides = array<i32>} : memref<32xf32, #tpu.memory_space<vmem>>, vector<16xf32>,
    %broadcast_in_dim3A_366 = arith.constant 0.000000e+00 : f32
    %broadcast_in_dim3A_367 = vector.broadcast %broadcast_in_dim3A_366 : f32 to vector<16xf32>
    %broadcast_in_dim3A_368 = arith.constant 0.000000e+00 : f32
    %broadcast_in_dim3A_369 = vector.broadcast %broadcast_in_dim3A_368 : f32 to vector<16xf32>
    %scan3A_370 = arith.constant 0 : i32
    %scan3A_371 = arith.constant 48 : i32
    %scan3A_372 = arith.addi %scan3A_370, %scan3A_371 : i32
    %scan3A_373 = arith.constant 1 : i32
    %scan3A_374 = scf.for %scan3A_719 = %scan3A_370 to %scan3A_372 step %scan3A_373 iter_args(%scan3A_720 = %broadcast_in_dim3A_369) -> (vector<16xf32>)  : i32 {
      %mul3A_721 = arith.constant 16 : i32
      %mul3A_722 = arith.muli %scan3A_719, %mul3A_721 : i32
      %multiple_of3A = tpu.assume_multiple %mul3A_722, 16 : i32
      %get3A_723 = arith.constant 16 : i32
      %get3A_724 = arith.index_cast %get3A_723 : i32 to index
      %get3A_725 = arith.index_cast %multiple_of3A : i32 to index
      %get3A_726 = tpu.vector_load %arg9[%get3A_724, %get3A_725] {strides = array<i32>} : memref<32x768xf32, #tpu.memory_space<vmem>>, vector<16xf32>,
      %get3A_727 = arith.constant 16 : i32
      %get3A_728 = arith.index_cast %get3A_727 : i32 to index
      %get3A_729 = arith.index_cast %multiple_of3A : i32 to index
      %get3A_730 = tpu.vector_load %arg10[%get3A_728, %get3A_729] {strides = array<i32>} : memref<32x768xf32, #tpu.memory_space<vmem>>, vector<16xf32>,
      %mul3A_731 = arith.mulf %get3A_726, %get3A_730 : vector<16xf32>
      %add3A_732 = arith.addf %scan3A_720, %mul3A_731 : vector<16xf32>
      scf.yield %add3A_732 : vector<16xf32>
    }
    %scan3A_375 = arith.constant 48 : i32
    %eq3A_376 = arith.constant 0 : i32
    %eq3A_377 = vector.broadcast %eq3A_376 : i32 to vector<16xi32>
    %eq3A_378 = arith.cmpi eq, %iota3A, %eq3A_377 : vector<16xi32>
    %reduce_sum3A_379 = arith.constant true
    %reduce_sum3A_380 = vector.broadcast %reduce_sum3A_379 : i1 to vector<16xi1>
    %reduce_sum3A_381 = tpu.scan <sum>, %scan3A_374 masked %reduce_sum3A_380 : vector<16xf32>, vector<16xi1> -> vector<16xf32>
    %reduce_sum3A_382 = vector.extract %reduce_sum3A_381[15] : f32 from vector<16xf32>
    %jit3A_383 = arith.constant 0.000000e+00 : f32
    %broadcast_in_dim3A_384 = vector.broadcast %reduce_sum3A_382 : f32 to vector<16xf32>
    %broadcast_in_dim3A_385 = vector.broadcast %jit3A_383 : f32 to vector<16xf32>
    %select_n3A_386 = arith.select %eq3A_378, %broadcast_in_dim3A_384, %broadcast_in_dim3A_385 : vector<16xi1>, vector<16xf32>
    %add3A_387 = arith.addf %broadcast_in_dim3A_367, %select_n3A_386 : vector<16xf32>
    %broadcast_in_dim3A_388 = arith.constant 0.000000e+00 : f32
    %broadcast_in_dim3A_389 = vector.broadcast %broadcast_in_dim3A_388 : f32 to vector<16xf32>
    %scan3A_390 = arith.constant 0 : i32
    %scan3A_391 = arith.constant 48 : i32
    %scan3A_392 = arith.addi %scan3A_390, %scan3A_391 : i32
    %scan3A_393 = arith.constant 1 : i32
    %scan3A_394 = scf.for %scan3A_719 = %scan3A_390 to %scan3A_392 step %scan3A_393 iter_args(%scan3A_720 = %broadcast_in_dim3A_389) -> (vector<16xf32>)  : i32 {
      %mul3A_721 = arith.constant 16 : i32
      %mul3A_722 = arith.muli %scan3A_719, %mul3A_721 : i32
      %multiple_of3A = tpu.assume_multiple %mul3A_722, 16 : i32
      %get3A_723 = arith.constant 17 : i32
      %get3A_724 = arith.index_cast %get3A_723 : i32 to index
      %get3A_725 = arith.index_cast %multiple_of3A : i32 to index
      %get3A_726 = tpu.vector_load %arg9[%get3A_724, %get3A_725] {strides = array<i32>} : memref<32x768xf32, #tpu.memory_space<vmem>>, vector<16xf32>,
      %get3A_727 = arith.constant 17 : i32
      %get3A_728 = arith.index_cast %get3A_727 : i32 to index
      %get3A_729 = arith.index_cast %multiple_of3A : i32 to index
      %get3A_730 = tpu.vector_load %arg10[%get3A_728, %get3A_729] {strides = array<i32>} : memref<32x768xf32, #tpu.memory_space<vmem>>, vector<16xf32>,
      %mul3A_731 = arith.mulf %get3A_726, %get3A_730 : vector<16xf32>
      %add3A_732 = arith.addf %scan3A_720, %mul3A_731 : vector<16xf32>
      scf.yield %add3A_732 : vector<16xf32>
    }
    %scan3A_395 = arith.constant 48 : i32
    %eq3A_396 = arith.constant 1 : i32
    %eq3A_397 = vector.broadcast %eq3A_396 : i32 to vector<16xi32>
    %eq3A_398 = arith.cmpi eq, %iota3A, %eq3A_397 : vector<16xi32>
    %reduce_sum3A_399 = arith.constant true
    %reduce_sum3A_400 = vector.broadcast %reduce_sum3A_399 : i1 to vector<16xi1>
    %reduce_sum3A_401 = tpu.scan <sum>, %scan3A_394 masked %reduce_sum3A_400 : vector<16xf32>, vector<16xi1> -> vector<16xf32>
    %reduce_sum3A_402 = vector.extract %reduce_sum3A_401[15] : f32 from vector<16xf32>
    %jit3A_403 = arith.constant 0.000000e+00 : f32
    %broadcast_in_dim3A_404 = vector.broadcast %reduce_sum3A_402 : f32 to vector<16xf32>
    %broadcast_in_dim3A_405 = vector.broadcast %jit3A_403 : f32 to vector<16xf32>
    %select_n3A_406 = arith.select %eq3A_398, %broadcast_in_dim3A_404, %broadcast_in_dim3A_405 : vector<16xi1>, vector<16xf32>
    %add3A_407 = arith.addf %add3A_387, %select_n3A_406 : vector<16xf32>
    %broadcast_in_dim3A_408 = arith.constant 0.000000e+00 : f32
    %broadcast_in_dim3A_409 = vector.broadcast %broadcast_in_dim3A_408 : f32 to vector<16xf32>
    %scan3A_410 = arith.constant 0 : i32
    %scan3A_411 = arith.constant 48 : i32
    %scan3A_412 = arith.addi %scan3A_410, %scan3A_411 : i32
    %scan3A_413 = arith.constant 1 : i32
    %scan3A_414 = scf.for %scan3A_719 = %scan3A_410 to %scan3A_412 step %scan3A_413 iter_args(%scan3A_720 = %broadcast_in_dim3A_409) -> (vector<16xf32>)  : i32 {
      %mul3A_721 = arith.constant 16 : i32
      %mul3A_722 = arith.muli %scan3A_719, %mul3A_721 : i32
      %multiple_of3A = tpu.assume_multiple %mul3A_722, 16 : i32
      %get3A_723 = arith.constant 18 : i32
      %get3A_724 = arith.index_cast %get3A_723 : i32 to index
      %get3A_725 = arith.index_cast %multiple_of3A : i32 to index
      %get3A_726 = tpu.vector_load %arg9[%get3A_724, %get3A_725] {strides = array<i32>} : memref<32x768xf32, #tpu.memory_space<vmem>>, vector<16xf32>,
      %get3A_727 = arith.constant 18 : i32
      %get3A_728 = arith.index_cast %get3A_727 : i32 to index
      %get3A_729 = arith.index_cast %multiple_of3A : i32 to index
      %get3A_730 = tpu.vector_load %arg10[%get3A_728, %get3A_729] {strides = array<i32>} : memref<32x768xf32, #tpu.memory_space<vmem>>, vector<16xf32>,
      %mul3A_731 = arith.mulf %get3A_726, %get3A_730 : vector<16xf32>
      %add3A_732 = arith.addf %scan3A_720, %mul3A_731 : vector<16xf32>
      scf.yield %add3A_732 : vector<16xf32>
    }
    %scan3A_415 = arith.constant 48 : i32
    %eq3A_416 = arith.constant 2 : i32
    %eq3A_417 = vector.broadcast %eq3A_416 : i32 to vector<16xi32>
    %eq3A_418 = arith.cmpi eq, %iota3A, %eq3A_417 : vector<16xi32>
    %reduce_sum3A_419 = arith.constant true
    %reduce_sum3A_420 = vector.broadcast %reduce_sum3A_419 : i1 to vector<16xi1>
    %reduce_sum3A_421 = tpu.scan <sum>, %scan3A_414 masked %reduce_sum3A_420 : vector<16xf32>, vector<16xi1> -> vector<16xf32>
    %reduce_sum3A_422 = vector.extract %reduce_sum3A_421[15] : f32 from vector<16xf32>
    %jit3A_423 = arith.constant 0.000000e+00 : f32
    %broadcast_in_dim3A_424 = vector.broadcast %reduce_sum3A_422 : f32 to vector<16xf32>
    %broadcast_in_dim3A_425 = vector.broadcast %jit3A_423 : f32 to vector<16xf32>
    %select_n3A_426 = arith.select %eq3A_418, %broadcast_in_dim3A_424, %broadcast_in_dim3A_425 : vector<16xi1>, vector<16xf32>
    %add3A_427 = arith.addf %add3A_407, %select_n3A_426 : vector<16xf32>
    %broadcast_in_dim3A_428 = arith.constant 0.000000e+00 : f32
    %broadcast_in_dim3A_429 = vector.broadcast %broadcast_in_dim3A_428 : f32 to vector<16xf32>
    %scan3A_430 = arith.constant 0 : i32
    %scan3A_431 = arith.constant 48 : i32
    %scan3A_432 = arith.addi %scan3A_430, %scan3A_431 : i32
    %scan3A_433 = arith.constant 1 : i32
    %scan3A_434 = scf.for %scan3A_719 = %scan3A_430 to %scan3A_432 step %scan3A_433 iter_args(%scan3A_720 = %broadcast_in_dim3A_429) -> (vector<16xf32>)  : i32 {
      %mul3A_721 = arith.constant 16 : i32
      %mul3A_722 = arith.muli %scan3A_719, %mul3A_721 : i32
      %multiple_of3A = tpu.assume_multiple %mul3A_722, 16 : i32
      %get3A_723 = arith.constant 19 : i32
      %get3A_724 = arith.index_cast %get3A_723 : i32 to index
      %get3A_725 = arith.index_cast %multiple_of3A : i32 to index
      %get3A_726 = tpu.vector_load %arg9[%get3A_724, %get3A_725] {strides = array<i32>} : memref<32x768xf32, #tpu.memory_space<vmem>>, vector<16xf32>,
      %get3A_727 = arith.constant 19 : i32
      %get3A_728 = arith.index_cast %get3A_727 : i32 to index
      %get3A_729 = arith.index_cast %multiple_of3A : i32 to index
      %get3A_730 = tpu.vector_load %arg10[%get3A_728, %get3A_729] {strides = array<i32>} : memref<32x768xf32, #tpu.memory_space<vmem>>, vector<16xf32>,
      %mul3A_731 = arith.mulf %get3A_726, %get3A_730 : vector<16xf32>
      %add3A_732 = arith.addf %scan3A_720, %mul3A_731 : vector<16xf32>
      scf.yield %add3A_732 : vector<16xf32>
    }
    %scan3A_435 = arith.constant 48 : i32
    %eq3A_436 = arith.constant 3 : i32
    %eq3A_437 = vector.broadcast %eq3A_436 : i32 to vector<16xi32>
    %eq3A_438 = arith.cmpi eq, %iota3A, %eq3A_437 : vector<16xi32>
    %reduce_sum3A_439 = arith.constant true
    %reduce_sum3A_440 = vector.broadcast %reduce_sum3A_439 : i1 to vector<16xi1>
    %reduce_sum3A_441 = tpu.scan <sum>, %scan3A_434 masked %reduce_sum3A_440 : vector<16xf32>, vector<16xi1> -> vector<16xf32>
    %reduce_sum3A_442 = vector.extract %reduce_sum3A_441[15] : f32 from vector<16xf32>
    %jit3A_443 = arith.constant 0.000000e+00 : f32
    %broadcast_in_dim3A_444 = vector.broadcast %reduce_sum3A_442 : f32 to vector<16xf32>
    %broadcast_in_dim3A_445 = vector.broadcast %jit3A_443 : f32 to vector<16xf32>
    %select_n3A_446 = arith.select %eq3A_438, %broadcast_in_dim3A_444, %broadcast_in_dim3A_445 : vector<16xi1>, vector<16xf32>
    %add3A_447 = arith.addf %add3A_427, %select_n3A_446 : vector<16xf32>
    %broadcast_in_dim3A_448 = arith.constant 0.000000e+00 : f32
    %broadcast_in_dim3A_449 = vector.broadcast %broadcast_in_dim3A_448 : f32 to vector<16xf32>
    %scan3A_450 = arith.constant 0 : i32
    %scan3A_451 = arith.constant 48 : i32
    %scan3A_452 = arith.addi %scan3A_450, %scan3A_451 : i32
    %scan3A_453 = arith.constant 1 : i32
    %scan3A_454 = scf.for %scan3A_719 = %scan3A_450 to %scan3A_452 step %scan3A_453 iter_args(%scan3A_720 = %broadcast_in_dim3A_449) -> (vector<16xf32>)  : i32 {
      %mul3A_721 = arith.constant 16 : i32
      %mul3A_722 = arith.muli %scan3A_719, %mul3A_721 : i32
      %multiple_of3A = tpu.assume_multiple %mul3A_722, 16 : i32
      %get3A_723 = arith.constant 20 : i32
      %get3A_724 = arith.index_cast %get3A_723 : i32 to index
      %get3A_725 = arith.index_cast %multiple_of3A : i32 to index
      %get3A_726 = tpu.vector_load %arg9[%get3A_724, %get3A_725] {strides = array<i32>} : memref<32x768xf32, #tpu.memory_space<vmem>>, vector<16xf32>,
      %get3A_727 = arith.constant 20 : i32
      %get3A_728 = arith.index_cast %get3A_727 : i32 to index
      %get3A_729 = arith.index_cast %multiple_of3A : i32 to index
      %get3A_730 = tpu.vector_load %arg10[%get3A_728, %get3A_729] {strides = array<i32>} : memref<32x768xf32, #tpu.memory_space<vmem>>, vector<16xf32>,
      %mul3A_731 = arith.mulf %get3A_726, %get3A_730 : vector<16xf32>
      %add3A_732 = arith.addf %scan3A_720, %mul3A_731 : vector<16xf32>
      scf.yield %add3A_732 : vector<16xf32>
    }
    %scan3A_455 = arith.constant 48 : i32
    %eq3A_456 = arith.constant 4 : i32
    %eq3A_457 = vector.broadcast %eq3A_456 : i32 to vector<16xi32>
    %eq3A_458 = arith.cmpi eq, %iota3A, %eq3A_457 : vector<16xi32>
    %reduce_sum3A_459 = arith.constant true
    %reduce_sum3A_460 = vector.broadcast %reduce_sum3A_459 : i1 to vector<16xi1>
    %reduce_sum3A_461 = tpu.scan <sum>, %scan3A_454 masked %reduce_sum3A_460 : vector<16xf32>, vector<16xi1> -> vector<16xf32>
    %reduce_sum3A_462 = vector.extract %reduce_sum3A_461[15] : f32 from vector<16xf32>
    %jit3A_463 = arith.constant 0.000000e+00 : f32
    %broadcast_in_dim3A_464 = vector.broadcast %reduce_sum3A_462 : f32 to vector<16xf32>
    %broadcast_in_dim3A_465 = vector.broadcast %jit3A_463 : f32 to vector<16xf32>
    %select_n3A_466 = arith.select %eq3A_458, %broadcast_in_dim3A_464, %broadcast_in_dim3A_465 : vector<16xi1>, vector<16xf32>
    %add3A_467 = arith.addf %add3A_447, %select_n3A_466 : vector<16xf32>
    %broadcast_in_dim3A_468 = arith.constant 0.000000e+00 : f32
    %broadcast_in_dim3A_469 = vector.broadcast %broadcast_in_dim3A_468 : f32 to vector<16xf32>
    %scan3A_470 = arith.constant 0 : i32
    %scan3A_471 = arith.constant 48 : i32
    %scan3A_472 = arith.addi %scan3A_470, %scan3A_471 : i32
    %scan3A_473 = arith.constant 1 : i32
    %scan3A_474 = scf.for %scan3A_719 = %scan3A_470 to %scan3A_472 step %scan3A_473 iter_args(%scan3A_720 = %broadcast_in_dim3A_469) -> (vector<16xf32>)  : i32 {
      %mul3A_721 = arith.constant 16 : i32
      %mul3A_722 = arith.muli %scan3A_719, %mul3A_721 : i32
      %multiple_of3A = tpu.assume_multiple %mul3A_722, 16 : i32
      %get3A_723 = arith.constant 21 : i32
      %get3A_724 = arith.index_cast %get3A_723 : i32 to index
      %get3A_725 = arith.index_cast %multiple_of3A : i32 to index
      %get3A_726 = tpu.vector_load %arg9[%get3A_724, %get3A_725] {strides = array<i32>} : memref<32x768xf32, #tpu.memory_space<vmem>>, vector<16xf32>,
      %get3A_727 = arith.constant 21 : i32
      %get3A_728 = arith.index_cast %get3A_727 : i32 to index
      %get3A_729 = arith.index_cast %multiple_of3A : i32 to index
      %get3A_730 = tpu.vector_load %arg10[%get3A_728, %get3A_729] {strides = array<i32>} : memref<32x768xf32, #tpu.memory_space<vmem>>, vector<16xf32>,
      %mul3A_731 = arith.mulf %get3A_726, %get3A_730 : vector<16xf32>
      %add3A_732 = arith.addf %scan3A_720, %mul3A_731 : vector<16xf32>
      scf.yield %add3A_732 : vector<16xf32>
    }
    %scan3A_475 = arith.constant 48 : i32
    %eq3A_476 = arith.constant 5 : i32
    %eq3A_477 = vector.broadcast %eq3A_476 : i32 to vector<16xi32>
    %eq3A_478 = arith.cmpi eq, %iota3A, %eq3A_477 : vector<16xi32>
    %reduce_sum3A_479 = arith.constant true
    %reduce_sum3A_480 = vector.broadcast %reduce_sum3A_479 : i1 to vector<16xi1>
    %reduce_sum3A_481 = tpu.scan <sum>, %scan3A_474 masked %reduce_sum3A_480 : vector<16xf32>, vector<16xi1> -> vector<16xf32>
    %reduce_sum3A_482 = vector.extract %reduce_sum3A_481[15] : f32 from vector<16xf32>
    %jit3A_483 = arith.constant 0.000000e+00 : f32
    %broadcast_in_dim3A_484 = vector.broadcast %reduce_sum3A_482 : f32 to vector<16xf32>
    %broadcast_in_dim3A_485 = vector.broadcast %jit3A_483 : f32 to vector<16xf32>
    %select_n3A_486 = arith.select %eq3A_478, %broadcast_in_dim3A_484, %broadcast_in_dim3A_485 : vector<16xi1>, vector<16xf32>
    %add3A_487 = arith.addf %add3A_467, %select_n3A_486 : vector<16xf32>
    %broadcast_in_dim3A_488 = arith.constant 0.000000e+00 : f32
    %broadcast_in_dim3A_489 = vector.broadcast %broadcast_in_dim3A_488 : f32 to vector<16xf32>
    %scan3A_490 = arith.constant 0 : i32
    %scan3A_491 = arith.constant 48 : i32
    %scan3A_492 = arith.addi %scan3A_490, %scan3A_491 : i32
    %scan3A_493 = arith.constant 1 : i32
    %scan3A_494 = scf.for %scan3A_719 = %scan3A_490 to %scan3A_492 step %scan3A_493 iter_args(%scan3A_720 = %broadcast_in_dim3A_489) -> (vector<16xf32>)  : i32 {
      %mul3A_721 = arith.constant 16 : i32
      %mul3A_722 = arith.muli %scan3A_719, %mul3A_721 : i32
      %multiple_of3A = tpu.assume_multiple %mul3A_722, 16 : i32
      %get3A_723 = arith.constant 22 : i32
      %get3A_724 = arith.index_cast %get3A_723 : i32 to index
      %get3A_725 = arith.index_cast %multiple_of3A : i32 to index
      %get3A_726 = tpu.vector_load %arg9[%get3A_724, %get3A_725] {strides = array<i32>} : memref<32x768xf32, #tpu.memory_space<vmem>>, vector<16xf32>,
      %get3A_727 = arith.constant 22 : i32
      %get3A_728 = arith.index_cast %get3A_727 : i32 to index
      %get3A_729 = arith.index_cast %multiple_of3A : i32 to index
      %get3A_730 = tpu.vector_load %arg10[%get3A_728, %get3A_729] {strides = array<i32>} : memref<32x768xf32, #tpu.memory_space<vmem>>, vector<16xf32>,
      %mul3A_731 = arith.mulf %get3A_726, %get3A_730 : vector<16xf32>
      %add3A_732 = arith.addf %scan3A_720, %mul3A_731 : vector<16xf32>
      scf.yield %add3A_732 : vector<16xf32>
    }
    %scan3A_495 = arith.constant 48 : i32
    %eq3A_496 = arith.constant 6 : i32
    %eq3A_497 = vector.broadcast %eq3A_496 : i32 to vector<16xi32>
    %eq3A_498 = arith.cmpi eq, %iota3A, %eq3A_497 : vector<16xi32>
    %reduce_sum3A_499 = arith.constant true
    %reduce_sum3A_500 = vector.broadcast %reduce_sum3A_499 : i1 to vector<16xi1>
    %reduce_sum3A_501 = tpu.scan <sum>, %scan3A_494 masked %reduce_sum3A_500 : vector<16xf32>, vector<16xi1> -> vector<16xf32>
    %reduce_sum3A_502 = vector.extract %reduce_sum3A_501[15] : f32 from vector<16xf32>
    %jit3A_503 = arith.constant 0.000000e+00 : f32
    %broadcast_in_dim3A_504 = vector.broadcast %reduce_sum3A_502 : f32 to vector<16xf32>
    %broadcast_in_dim3A_505 = vector.broadcast %jit3A_503 : f32 to vector<16xf32>
    %select_n3A_506 = arith.select %eq3A_498, %broadcast_in_dim3A_504, %broadcast_in_dim3A_505 : vector<16xi1>, vector<16xf32>
    %add3A_507 = arith.addf %add3A_487, %select_n3A_506 : vector<16xf32>
    %broadcast_in_dim3A_508 = arith.constant 0.000000e+00 : f32
    %broadcast_in_dim3A_509 = vector.broadcast %broadcast_in_dim3A_508 : f32 to vector<16xf32>
    %scan3A_510 = arith.constant 0 : i32
    %scan3A_511 = arith.constant 48 : i32
    %scan3A_512 = arith.addi %scan3A_510, %scan3A_511 : i32
    %scan3A_513 = arith.constant 1 : i32
    %scan3A_514 = scf.for %scan3A_719 = %scan3A_510 to %scan3A_512 step %scan3A_513 iter_args(%scan3A_720 = %broadcast_in_dim3A_509) -> (vector<16xf32>)  : i32 {
      %mul3A_721 = arith.constant 16 : i32
      %mul3A_722 = arith.muli %scan3A_719, %mul3A_721 : i32
      %multiple_of3A = tpu.assume_multiple %mul3A_722, 16 : i32
      %get3A_723 = arith.constant 23 : i32
      %get3A_724 = arith.index_cast %get3A_723 : i32 to index
      %get3A_725 = arith.index_cast %multiple_of3A : i32 to index
      %get3A_726 = tpu.vector_load %arg9[%get3A_724, %get3A_725] {strides = array<i32>} : memref<32x768xf32, #tpu.memory_space<vmem>>, vector<16xf32>,
      %get3A_727 = arith.constant 23 : i32
      %get3A_728 = arith.index_cast %get3A_727 : i32 to index
      %get3A_729 = arith.index_cast %multiple_of3A : i32 to index
      %get3A_730 = tpu.vector_load %arg10[%get3A_728, %get3A_729] {strides = array<i32>} : memref<32x768xf32, #tpu.memory_space<vmem>>, vector<16xf32>,
      %mul3A_731 = arith.mulf %get3A_726, %get3A_730 : vector<16xf32>
      %add3A_732 = arith.addf %scan3A_720, %mul3A_731 : vector<16xf32>
      scf.yield %add3A_732 : vector<16xf32>
    }
    %scan3A_515 = arith.constant 48 : i32
    %eq3A_516 = arith.constant 7 : i32
    %eq3A_517 = vector.broadcast %eq3A_516 : i32 to vector<16xi32>
    %eq3A_518 = arith.cmpi eq, %iota3A, %eq3A_517 : vector<16xi32>
    %reduce_sum3A_519 = arith.constant true
    %reduce_sum3A_520 = vector.broadcast %reduce_sum3A_519 : i1 to vector<16xi1>
    %reduce_sum3A_521 = tpu.scan <sum>, %scan3A_514 masked %reduce_sum3A_520 : vector<16xf32>, vector<16xi1> -> vector<16xf32>
    %reduce_sum3A_522 = vector.extract %reduce_sum3A_521[15] : f32 from vector<16xf32>
    %jit3A_523 = arith.constant 0.000000e+00 : f32
    %broadcast_in_dim3A_524 = vector.broadcast %reduce_sum3A_522 : f32 to vector<16xf32>
    %broadcast_in_dim3A_525 = vector.broadcast %jit3A_523 : f32 to vector<16xf32>
    %select_n3A_526 = arith.select %eq3A_518, %broadcast_in_dim3A_524, %broadcast_in_dim3A_525 : vector<16xi1>, vector<16xf32>
    %add3A_527 = arith.addf %add3A_507, %select_n3A_526 : vector<16xf32>
    %broadcast_in_dim3A_528 = arith.constant 0.000000e+00 : f32
    %broadcast_in_dim3A_529 = vector.broadcast %broadcast_in_dim3A_528 : f32 to vector<16xf32>
    %scan3A_530 = arith.constant 0 : i32
    %scan3A_531 = arith.constant 48 : i32
    %scan3A_532 = arith.addi %scan3A_530, %scan3A_531 : i32
    %scan3A_533 = arith.constant 1 : i32
    %scan3A_534 = scf.for %scan3A_719 = %scan3A_530 to %scan3A_532 step %scan3A_533 iter_args(%scan3A_720 = %broadcast_in_dim3A_529) -> (vector<16xf32>)  : i32 {
      %mul3A_721 = arith.constant 16 : i32
      %mul3A_722 = arith.muli %scan3A_719, %mul3A_721 : i32
      %multiple_of3A = tpu.assume_multiple %mul3A_722, 16 : i32
      %get3A_723 = arith.constant 24 : i32
      %get3A_724 = arith.index_cast %get3A_723 : i32 to index
      %get3A_725 = arith.index_cast %multiple_of3A : i32 to index
      %get3A_726 = tpu.vector_load %arg9[%get3A_724, %get3A_725] {strides = array<i32>} : memref<32x768xf32, #tpu.memory_space<vmem>>, vector<16xf32>,
      %get3A_727 = arith.constant 24 : i32
      %get3A_728 = arith.index_cast %get3A_727 : i32 to index
      %get3A_729 = arith.index_cast %multiple_of3A : i32 to index
      %get3A_730 = tpu.vector_load %arg10[%get3A_728, %get3A_729] {strides = array<i32>} : memref<32x768xf32, #tpu.memory_space<vmem>>, vector<16xf32>,
      %mul3A_731 = arith.mulf %get3A_726, %get3A_730 : vector<16xf32>
      %add3A_732 = arith.addf %scan3A_720, %mul3A_731 : vector<16xf32>
      scf.yield %add3A_732 : vector<16xf32>
    }
    %scan3A_535 = arith.constant 48 : i32
    %eq3A_536 = arith.constant 8 : i32
    %eq3A_537 = vector.broadcast %eq3A_536 : i32 to vector<16xi32>
    %eq3A_538 = arith.cmpi eq, %iota3A, %eq3A_537 : vector<16xi32>
    %reduce_sum3A_539 = arith.constant true
    %reduce_sum3A_540 = vector.broadcast %reduce_sum3A_539 : i1 to vector<16xi1>
    %reduce_sum3A_541 = tpu.scan <sum>, %scan3A_534 masked %reduce_sum3A_540 : vector<16xf32>, vector<16xi1> -> vector<16xf32>
    %reduce_sum3A_542 = vector.extract %reduce_sum3A_541[15] : f32 from vector<16xf32>
    %jit3A_543 = arith.constant 0.000000e+00 : f32
    %broadcast_in_dim3A_544 = vector.broadcast %reduce_sum3A_542 : f32 to vector<16xf32>
    %broadcast_in_dim3A_545 = vector.broadcast %jit3A_543 : f32 to vector<16xf32>
    %select_n3A_546 = arith.select %eq3A_538, %broadcast_in_dim3A_544, %broadcast_in_dim3A_545 : vector<16xi1>, vector<16xf32>
    %add3A_547 = arith.addf %add3A_527, %select_n3A_546 : vector<16xf32>
    %broadcast_in_dim3A_548 = arith.constant 0.000000e+00 : f32
    %broadcast_in_dim3A_549 = vector.broadcast %broadcast_in_dim3A_548 : f32 to vector<16xf32>
    %scan3A_550 = arith.constant 0 : i32
    %scan3A_551 = arith.constant 48 : i32
    %scan3A_552 = arith.addi %scan3A_550, %scan3A_551 : i32
    %scan3A_553 = arith.constant 1 : i32
    %scan3A_554 = scf.for %scan3A_719 = %scan3A_550 to %scan3A_552 step %scan3A_553 iter_args(%scan3A_720 = %broadcast_in_dim3A_549) -> (vector<16xf32>)  : i32 {
      %mul3A_721 = arith.constant 16 : i32
      %mul3A_722 = arith.muli %scan3A_719, %mul3A_721 : i32
      %multiple_of3A = tpu.assume_multiple %mul3A_722, 16 : i32
      %get3A_723 = arith.constant 25 : i32
      %get3A_724 = arith.index_cast %get3A_723 : i32 to index
      %get3A_725 = arith.index_cast %multiple_of3A : i32 to index
      %get3A_726 = tpu.vector_load %arg9[%get3A_724, %get3A_725] {strides = array<i32>} : memref<32x768xf32, #tpu.memory_space<vmem>>, vector<16xf32>,
      %get3A_727 = arith.constant 25 : i32
      %get3A_728 = arith.index_cast %get3A_727 : i32 to index
      %get3A_729 = arith.index_cast %multiple_of3A : i32 to index
      %get3A_730 = tpu.vector_load %arg10[%get3A_728, %get3A_729] {strides = array<i32>} : memref<32x768xf32, #tpu.memory_space<vmem>>, vector<16xf32>,
      %mul3A_731 = arith.mulf %get3A_726, %get3A_730 : vector<16xf32>
      %add3A_732 = arith.addf %scan3A_720, %mul3A_731 : vector<16xf32>
      scf.yield %add3A_732 : vector<16xf32>
    }
    %scan3A_555 = arith.constant 48 : i32
    %eq3A_556 = arith.constant 9 : i32
    %eq3A_557 = vector.broadcast %eq3A_556 : i32 to vector<16xi32>
    %eq3A_558 = arith.cmpi eq, %iota3A, %eq3A_557 : vector<16xi32>
    %reduce_sum3A_559 = arith.constant true
    %reduce_sum3A_560 = vector.broadcast %reduce_sum3A_559 : i1 to vector<16xi1>
    %reduce_sum3A_561 = tpu.scan <sum>, %scan3A_554 masked %reduce_sum3A_560 : vector<16xf32>, vector<16xi1> -> vector<16xf32>
    %reduce_sum3A_562 = vector.extract %reduce_sum3A_561[15] : f32 from vector<16xf32>
    %jit3A_563 = arith.constant 0.000000e+00 : f32
    %broadcast_in_dim3A_564 = vector.broadcast %reduce_sum3A_562 : f32 to vector<16xf32>
    %broadcast_in_dim3A_565 = vector.broadcast %jit3A_563 : f32 to vector<16xf32>
    %select_n3A_566 = arith.select %eq3A_558, %broadcast_in_dim3A_564, %broadcast_in_dim3A_565 : vector<16xi1>, vector<16xf32>
    %add3A_567 = arith.addf %add3A_547, %select_n3A_566 : vector<16xf32>
    %broadcast_in_dim3A_568 = arith.constant 0.000000e+00 : f32
    %broadcast_in_dim3A_569 = vector.broadcast %broadcast_in_dim3A_568 : f32 to vector<16xf32>
    %scan3A_570 = arith.constant 0 : i32
    %scan3A_571 = arith.constant 48 : i32
    %scan3A_572 = arith.addi %scan3A_570, %scan3A_571 : i32
    %scan3A_573 = arith.constant 1 : i32
    %scan3A_574 = scf.for %scan3A_719 = %scan3A_570 to %scan3A_572 step %scan3A_573 iter_args(%scan3A_720 = %broadcast_in_dim3A_569) -> (vector<16xf32>)  : i32 {
      %mul3A_721 = arith.constant 16 : i32
      %mul3A_722 = arith.muli %scan3A_719, %mul3A_721 : i32
      %multiple_of3A = tpu.assume_multiple %mul3A_722, 16 : i32
      %get3A_723 = arith.constant 26 : i32
      %get3A_724 = arith.index_cast %get3A_723 : i32 to index
      %get3A_725 = arith.index_cast %multiple_of3A : i32 to index
      %get3A_726 = tpu.vector_load %arg9[%get3A_724, %get3A_725] {strides = array<i32>} : memref<32x768xf32, #tpu.memory_space<vmem>>, vector<16xf32>,
      %get3A_727 = arith.constant 26 : i32
      %get3A_728 = arith.index_cast %get3A_727 : i32 to index
      %get3A_729 = arith.index_cast %multiple_of3A : i32 to index
      %get3A_730 = tpu.vector_load %arg10[%get3A_728, %get3A_729] {strides = array<i32>} : memref<32x768xf32, #tpu.memory_space<vmem>>, vector<16xf32>,
      %mul3A_731 = arith.mulf %get3A_726, %get3A_730 : vector<16xf32>
      %add3A_732 = arith.addf %scan3A_720, %mul3A_731 : vector<16xf32>
      scf.yield %add3A_732 : vector<16xf32>
    }
    %scan3A_575 = arith.constant 48 : i32
    %eq3A_576 = arith.constant 10 : i32
    %eq3A_577 = vector.broadcast %eq3A_576 : i32 to vector<16xi32>
    %eq3A_578 = arith.cmpi eq, %iota3A, %eq3A_577 : vector<16xi32>
    %reduce_sum3A_579 = arith.constant true
    %reduce_sum3A_580 = vector.broadcast %reduce_sum3A_579 : i1 to vector<16xi1>
    %reduce_sum3A_581 = tpu.scan <sum>, %scan3A_574 masked %reduce_sum3A_580 : vector<16xf32>, vector<16xi1> -> vector<16xf32>
    %reduce_sum3A_582 = vector.extract %reduce_sum3A_581[15] : f32 from vector<16xf32>
    %jit3A_583 = arith.constant 0.000000e+00 : f32
    %broadcast_in_dim3A_584 = vector.broadcast %reduce_sum3A_582 : f32 to vector<16xf32>
    %broadcast_in_dim3A_585 = vector.broadcast %jit3A_583 : f32 to vector<16xf32>
    %select_n3A_586 = arith.select %eq3A_578, %broadcast_in_dim3A_584, %broadcast_in_dim3A_585 : vector<16xi1>, vector<16xf32>
    %add3A_587 = arith.addf %add3A_567, %select_n3A_586 : vector<16xf32>
    %broadcast_in_dim3A_588 = arith.constant 0.000000e+00 : f32
    %broadcast_in_dim3A_589 = vector.broadcast %broadcast_in_dim3A_588 : f32 to vector<16xf32>
    %scan3A_590 = arith.constant 0 : i32
    %scan3A_591 = arith.constant 48 : i32
    %scan3A_592 = arith.addi %scan3A_590, %scan3A_591 : i32
    %scan3A_593 = arith.constant 1 : i32
    %scan3A_594 = scf.for %scan3A_719 = %scan3A_590 to %scan3A_592 step %scan3A_593 iter_args(%scan3A_720 = %broadcast_in_dim3A_589) -> (vector<16xf32>)  : i32 {
      %mul3A_721 = arith.constant 16 : i32
      %mul3A_722 = arith.muli %scan3A_719, %mul3A_721 : i32
      %multiple_of3A = tpu.assume_multiple %mul3A_722, 16 : i32
      %get3A_723 = arith.constant 27 : i32
      %get3A_724 = arith.index_cast %get3A_723 : i32 to index
      %get3A_725 = arith.index_cast %multiple_of3A : i32 to index
      %get3A_726 = tpu.vector_load %arg9[%get3A_724, %get3A_725] {strides = array<i32>} : memref<32x768xf32, #tpu.memory_space<vmem>>, vector<16xf32>,
      %get3A_727 = arith.constant 27 : i32
      %get3A_728 = arith.index_cast %get3A_727 : i32 to index
      %get3A_729 = arith.index_cast %multiple_of3A : i32 to index
      %get3A_730 = tpu.vector_load %arg10[%get3A_728, %get3A_729] {strides = array<i32>} : memref<32x768xf32, #tpu.memory_space<vmem>>, vector<16xf32>,
      %mul3A_731 = arith.mulf %get3A_726, %get3A_730 : vector<16xf32>
      %add3A_732 = arith.addf %scan3A_720, %mul3A_731 : vector<16xf32>
      scf.yield %add3A_732 : vector<16xf32>
    }
    %scan3A_595 = arith.constant 48 : i32
    %eq3A_596 = arith.constant 11 : i32
    %eq3A_597 = vector.broadcast %eq3A_596 : i32 to vector<16xi32>
    %eq3A_598 = arith.cmpi eq, %iota3A, %eq3A_597 : vector<16xi32>
    %reduce_sum3A_599 = arith.constant true
    %reduce_sum3A_600 = vector.broadcast %reduce_sum3A_599 : i1 to vector<16xi1>
    %reduce_sum3A_601 = tpu.scan <sum>, %scan3A_594 masked %reduce_sum3A_600 : vector<16xf32>, vector<16xi1> -> vector<16xf32>
    %reduce_sum3A_602 = vector.extract %reduce_sum3A_601[15] : f32 from vector<16xf32>
    %jit3A_603 = arith.constant 0.000000e+00 : f32
    %broadcast_in_dim3A_604 = vector.broadcast %reduce_sum3A_602 : f32 to vector<16xf32>
    %broadcast_in_dim3A_605 = vector.broadcast %jit3A_603 : f32 to vector<16xf32>
    %select_n3A_606 = arith.select %eq3A_598, %broadcast_in_dim3A_604, %broadcast_in_dim3A_605 : vector<16xi1>, vector<16xf32>
    %add3A_607 = arith.addf %add3A_587, %select_n3A_606 : vector<16xf32>
    %broadcast_in_dim3A_608 = arith.constant 0.000000e+00 : f32
    %broadcast_in_dim3A_609 = vector.broadcast %broadcast_in_dim3A_608 : f32 to vector<16xf32>
    %scan3A_610 = arith.constant 0 : i32
    %scan3A_611 = arith.constant 48 : i32
    %scan3A_612 = arith.addi %scan3A_610, %scan3A_611 : i32
    %scan3A_613 = arith.constant 1 : i32
    %scan3A_614 = scf.for %scan3A_719 = %scan3A_610 to %scan3A_612 step %scan3A_613 iter_args(%scan3A_720 = %broadcast_in_dim3A_609) -> (vector<16xf32>)  : i32 {
      %mul3A_721 = arith.constant 16 : i32
      %mul3A_722 = arith.muli %scan3A_719, %mul3A_721 : i32
      %multiple_of3A = tpu.assume_multiple %mul3A_722, 16 : i32
      %get3A_723 = arith.constant 28 : i32
      %get3A_724 = arith.index_cast %get3A_723 : i32 to index
      %get3A_725 = arith.index_cast %multiple_of3A : i32 to index
      %get3A_726 = tpu.vector_load %arg9[%get3A_724, %get3A_725] {strides = array<i32>} : memref<32x768xf32, #tpu.memory_space<vmem>>, vector<16xf32>,
      %get3A_727 = arith.constant 28 : i32
      %get3A_728 = arith.index_cast %get3A_727 : i32 to index
      %get3A_729 = arith.index_cast %multiple_of3A : i32 to index
      %get3A_730 = tpu.vector_load %arg10[%get3A_728, %get3A_729] {strides = array<i32>} : memref<32x768xf32, #tpu.memory_space<vmem>>, vector<16xf32>,
      %mul3A_731 = arith.mulf %get3A_726, %get3A_730 : vector<16xf32>
      %add3A_732 = arith.addf %scan3A_720, %mul3A_731 : vector<16xf32>
      scf.yield %add3A_732 : vector<16xf32>
    }
    %scan3A_615 = arith.constant 48 : i32
    %eq3A_616 = arith.constant 12 : i32
    %eq3A_617 = vector.broadcast %eq3A_616 : i32 to vector<16xi32>
    %eq3A_618 = arith.cmpi eq, %iota3A, %eq3A_617 : vector<16xi32>
    %reduce_sum3A_619 = arith.constant true
    %reduce_sum3A_620 = vector.broadcast %reduce_sum3A_619 : i1 to vector<16xi1>
    %reduce_sum3A_621 = tpu.scan <sum>, %scan3A_614 masked %reduce_sum3A_620 : vector<16xf32>, vector<16xi1> -> vector<16xf32>
    %reduce_sum3A_622 = vector.extract %reduce_sum3A_621[15] : f32 from vector<16xf32>
    %jit3A_623 = arith.constant 0.000000e+00 : f32
    %broadcast_in_dim3A_624 = vector.broadcast %reduce_sum3A_622 : f32 to vector<16xf32>
    %broadcast_in_dim3A_625 = vector.broadcast %jit3A_623 : f32 to vector<16xf32>
    %select_n3A_626 = arith.select %eq3A_618, %broadcast_in_dim3A_624, %broadcast_in_dim3A_625 : vector<16xi1>, vector<16xf32>
    %add3A_627 = arith.addf %add3A_607, %select_n3A_626 : vector<16xf32>
    %broadcast_in_dim3A_628 = arith.constant 0.000000e+00 : f32
    %broadcast_in_dim3A_629 = vector.broadcast %broadcast_in_dim3A_628 : f32 to vector<16xf32>
    %scan3A_630 = arith.constant 0 : i32
    %scan3A_631 = arith.constant 48 : i32
    %scan3A_632 = arith.addi %scan3A_630, %scan3A_631 : i32
    %scan3A_633 = arith.constant 1 : i32
    %scan3A_634 = scf.for %scan3A_719 = %scan3A_630 to %scan3A_632 step %scan3A_633 iter_args(%scan3A_720 = %broadcast_in_dim3A_629) -> (vector<16xf32>)  : i32 {
      %mul3A_721 = arith.constant 16 : i32
      %mul3A_722 = arith.muli %scan3A_719, %mul3A_721 : i32
      %multiple_of3A = tpu.assume_multiple %mul3A_722, 16 : i32
      %get3A_723 = arith.constant 29 : i32
      %get3A_724 = arith.index_cast %get3A_723 : i32 to index
      %get3A_725 = arith.index_cast %multiple_of3A : i32 to index
      %get3A_726 = tpu.vector_load %arg9[%get3A_724, %get3A_725] {strides = array<i32>} : memref<32x768xf32, #tpu.memory_space<vmem>>, vector<16xf32>,
      %get3A_727 = arith.constant 29 : i32
      %get3A_728 = arith.index_cast %get3A_727 : i32 to index
      %get3A_729 = arith.index_cast %multiple_of3A : i32 to index
      %get3A_730 = tpu.vector_load %arg10[%get3A_728, %get3A_729] {strides = array<i32>} : memref<32x768xf32, #tpu.memory_space<vmem>>, vector<16xf32>,
      %mul3A_731 = arith.mulf %get3A_726, %get3A_730 : vector<16xf32>
      %add3A_732 = arith.addf %scan3A_720, %mul3A_731 : vector<16xf32>
      scf.yield %add3A_732 : vector<16xf32>
    }
    %scan3A_635 = arith.constant 48 : i32
    %eq3A_636 = arith.constant 13 : i32
    %eq3A_637 = vector.broadcast %eq3A_636 : i32 to vector<16xi32>
    %eq3A_638 = arith.cmpi eq, %iota3A, %eq3A_637 : vector<16xi32>
    %reduce_sum3A_639 = arith.constant true
    %reduce_sum3A_640 = vector.broadcast %reduce_sum3A_639 : i1 to vector<16xi1>
    %reduce_sum3A_641 = tpu.scan <sum>, %scan3A_634 masked %reduce_sum3A_640 : vector<16xf32>, vector<16xi1> -> vector<16xf32>
    %reduce_sum3A_642 = vector.extract %reduce_sum3A_641[15] : f32 from vector<16xf32>
    %jit3A_643 = arith.constant 0.000000e+00 : f32
    %broadcast_in_dim3A_644 = vector.broadcast %reduce_sum3A_642 : f32 to vector<16xf32>
    %broadcast_in_dim3A_645 = vector.broadcast %jit3A_643 : f32 to vector<16xf32>
    %select_n3A_646 = arith.select %eq3A_638, %broadcast_in_dim3A_644, %broadcast_in_dim3A_645 : vector<16xi1>, vector<16xf32>
    %add3A_647 = arith.addf %add3A_627, %select_n3A_646 : vector<16xf32>
    %broadcast_in_dim3A_648 = arith.constant 0.000000e+00 : f32
    %broadcast_in_dim3A_649 = vector.broadcast %broadcast_in_dim3A_648 : f32 to vector<16xf32>
    %scan3A_650 = arith.constant 0 : i32
    %scan3A_651 = arith.constant 48 : i32
    %scan3A_652 = arith.addi %scan3A_650, %scan3A_651 : i32
    %scan3A_653 = arith.constant 1 : i32
    %scan3A_654 = scf.for %scan3A_719 = %scan3A_650 to %scan3A_652 step %scan3A_653 iter_args(%scan3A_720 = %broadcast_in_dim3A_649) -> (vector<16xf32>)  : i32 {
      %mul3A_721 = arith.constant 16 : i32
      %mul3A_722 = arith.muli %scan3A_719, %mul3A_721 : i32
      %multiple_of3A = tpu.assume_multiple %mul3A_722, 16 : i32
      %get3A_723 = arith.constant 30 : i32
      %get3A_724 = arith.index_cast %get3A_723 : i32 to index
      %get3A_725 = arith.index_cast %multiple_of3A : i32 to index
      %get3A_726 = tpu.vector_load %arg9[%get3A_724, %get3A_725] {strides = array<i32>} : memref<32x768xf32, #tpu.memory_space<vmem>>, vector<16xf32>,
      %get3A_727 = arith.constant 30 : i32
      %get3A_728 = arith.index_cast %get3A_727 : i32 to index
      %get3A_729 = arith.index_cast %multiple_of3A : i32 to index
      %get3A_730 = tpu.vector_load %arg10[%get3A_728, %get3A_729] {strides = array<i32>} : memref<32x768xf32, #tpu.memory_space<vmem>>, vector<16xf32>,
      %mul3A_731 = arith.mulf %get3A_726, %get3A_730 : vector<16xf32>
      %add3A_732 = arith.addf %scan3A_720, %mul3A_731 : vector<16xf32>
      scf.yield %add3A_732 : vector<16xf32>
    }
    %scan3A_655 = arith.constant 48 : i32
    %eq3A_656 = arith.constant 14 : i32
    %eq3A_657 = vector.broadcast %eq3A_656 : i32 to vector<16xi32>
    %eq3A_658 = arith.cmpi eq, %iota3A, %eq3A_657 : vector<16xi32>
    %reduce_sum3A_659 = arith.constant true
    %reduce_sum3A_660 = vector.broadcast %reduce_sum3A_659 : i1 to vector<16xi1>
    %reduce_sum3A_661 = tpu.scan <sum>, %scan3A_654 masked %reduce_sum3A_660 : vector<16xf32>, vector<16xi1> -> vector<16xf32>
    %reduce_sum3A_662 = vector.extract %reduce_sum3A_661[15] : f32 from vector<16xf32>
    %jit3A_663 = arith.constant 0.000000e+00 : f32
    %broadcast_in_dim3A_664 = vector.broadcast %reduce_sum3A_662 : f32 to vector<16xf32>
    %broadcast_in_dim3A_665 = vector.broadcast %jit3A_663 : f32 to vector<16xf32>
    %select_n3A_666 = arith.select %eq3A_658, %broadcast_in_dim3A_664, %broadcast_in_dim3A_665 : vector<16xi1>, vector<16xf32>
    %add3A_667 = arith.addf %add3A_647, %select_n3A_666 : vector<16xf32>
    %broadcast_in_dim3A_668 = arith.constant 0.000000e+00 : f32
    %broadcast_in_dim3A_669 = vector.broadcast %broadcast_in_dim3A_668 : f32 to vector<16xf32>
    %scan3A_670 = arith.constant 0 : i32
    %scan3A_671 = arith.constant 48 : i32
    %scan3A_672 = arith.addi %scan3A_670, %scan3A_671 : i32
    %scan3A_673 = arith.constant 1 : i32
    %scan3A_674 = scf.for %scan3A_719 = %scan3A_670 to %scan3A_672 step %scan3A_673 iter_args(%scan3A_720 = %broadcast_in_dim3A_669) -> (vector<16xf32>)  : i32 {
      %mul3A_721 = arith.constant 16 : i32
      %mul3A_722 = arith.muli %scan3A_719, %mul3A_721 : i32
      %multiple_of3A = tpu.assume_multiple %mul3A_722, 16 : i32
      %get3A_723 = arith.constant 31 : i32
      %get3A_724 = arith.index_cast %get3A_723 : i32 to index
      %get3A_725 = arith.index_cast %multiple_of3A : i32 to index
      %get3A_726 = tpu.vector_load %arg9[%get3A_724, %get3A_725] {strides = array<i32>} : memref<32x768xf32, #tpu.memory_space<vmem>>, vector<16xf32>,
      %get3A_727 = arith.constant 31 : i32
      %get3A_728 = arith.index_cast %get3A_727 : i32 to index
      %get3A_729 = arith.index_cast %multiple_of3A : i32 to index
      %get3A_730 = tpu.vector_load %arg10[%get3A_728, %get3A_729] {strides = array<i32>} : memref<32x768xf32, #tpu.memory_space<vmem>>, vector<16xf32>,
      %mul3A_731 = arith.mulf %get3A_726, %get3A_730 : vector<16xf32>
      %add3A_732 = arith.addf %scan3A_720, %mul3A_731 : vector<16xf32>
      scf.yield %add3A_732 : vector<16xf32>
    }
    %scan3A_675 = arith.constant 48 : i32
    %eq3A_676 = arith.constant 15 : i32
    %eq3A_677 = vector.broadcast %eq3A_676 : i32 to vector<16xi32>
    %eq3A_678 = arith.cmpi eq, %iota3A, %eq3A_677 : vector<16xi32>
    %reduce_sum3A_679 = arith.constant true
    %reduce_sum3A_680 = vector.broadcast %reduce_sum3A_679 : i1 to vector<16xi1>
    %reduce_sum3A_681 = tpu.scan <sum>, %scan3A_674 masked %reduce_sum3A_680 : vector<16xf32>, vector<16xi1> -> vector<16xf32>
    %reduce_sum3A_682 = vector.extract %reduce_sum3A_681[15] : f32 from vector<16xf32>
    %jit3A_683 = arith.constant 0.000000e+00 : f32
    %broadcast_in_dim3A_684 = vector.broadcast %reduce_sum3A_682 : f32 to vector<16xf32>
    %broadcast_in_dim3A_685 = vector.broadcast %jit3A_683 : f32 to vector<16xf32>
    %select_n3A_686 = arith.select %eq3A_678, %broadcast_in_dim3A_684, %broadcast_in_dim3A_685 : vector<16xi1>, vector<16xf32>
    %add3A_687 = arith.addf %add3A_667, %select_n3A_686 : vector<16xf32>
    %get3A_688 = arith.constant 16 : index
    %get3A_689 = tpu.vector_load %arg7[%get3A_688] {strides = array<i32>} : memref<32xi32, #tpu.memory_space<vmem>>, vector<16xi32>,
    %add3A_690 = arith.constant 16 : i32
    %add3A_691 = vector.broadcast %add3A_690 : i32 to vector<16xi32>
    %add3A_692 = arith.addi %add3A_691, %iota3A : vector<16xi32>
    %jit3A_693 = arith.constant 128 : i32
    %eq3A_694 = arith.constant 0 : i32
    %eq3A_695 = arith.cmpi eq, %jit3A_693, %eq3A_694 : i32
    %jit3A_696 = arith.constant 1 : i32
    %select_n3A_697 = arith.select %eq3A_695, %jit3A_696, %jit3A_693 : i32
    %rem3A_698 = vector.broadcast %select_n3A_697 : i32 to vector<16xi32>
    %rem3A_699 = arith.remsi %get3A_689, %rem3A_698 : vector<16xi32>
    %ne3A_700 = arith.constant 0 : i32
    %ne3A_701 = vector.broadcast %ne3A_700 : i32 to vector<16xi32>
    %ne3A_702 = arith.cmpi ne, %rem3A_699, %ne3A_701 : vector<16xi32>
    %lt3A_703 = arith.constant 0 : i32
    %lt3A_704 = vector.broadcast %lt3A_703 : i32 to vector<16xi32>
    %lt3A_705 = arith.cmpi slt, %rem3A_699, %lt3A_704 : vector<16xi32>
    %lt3A_706 = arith.constant 0 : i32
    %lt3A_707 = arith.cmpi slt, %select_n3A_697, %lt3A_706 : i32
    %ne3A_708 = vector.broadcast %lt3A_707 : i1 to vector<16xi1>
    %ne3A_709 = vector.broadcast %ne3A_708 : vector<16xi1> to vector<16xi1>
    %ne3A_710 = arith.xori %lt3A_705, %ne3A_709 : vector<16xi1>
    %and3A_711 = arith.andi %ne3A_710, %ne3A_702 : vector<16xi1>
    %add3A_712 = vector.broadcast %select_n3A_697 : i32 to vector<16xi32>
    %add3A_713 = arith.addi %rem3A_699, %add3A_712 : vector<16xi32>
    %select_n3A_714 = arith.select %and3A_711, %add3A_713, %rem3A_699 : vector<16xi1>, vector<16xi32>
    %gather3A_715 = tpu.vector_load_idx %arg11[%add3A_692, %select_n3A_714] : memref<32x128xf32, #tpu.memory_space<vmem>>[vector<16xi32>, vector<16xi32>], vector<16xf32>,
    %add3A_716 = arith.addf %add3A_687, %gather3A_715 : vector<16xf32>
    %swap3A_717 = arith.constant 16 : index
    %swap3A_718 = tpu.vector_load %arg12[%swap3A_717] {strides = array<i32>} : memref<32xf32, #tpu.memory_space<vmem>>, vector<16xf32>,
    tpu.vector_store %arg12[%swap3A_717], %add3A_716 {strides = array<i32>} : memref<32xf32, #tpu.memory_space<vmem>>, vector<16xf32>,
    "tpu.region"() ({
      %run_scoped3A = tpu.sem_alloc : memref<!tpu.dma_semaphore, #tpu.memory_space<semaphore_mem>>
      %dma_start3A_719 = tpu.memref_slice %arg6[%mul3A_2] : memref<1024xf32, #tpu.memory_space<hbm>> -> memref<32xf32, #tpu.memory_space<hbm>>
      %dma_start3A_720 = tpu.memref_slice %arg6[%mul3A_2] : memref<1024xf32, #tpu.memory_space<hbm>> -> memref<32xf32, #tpu.memory_space<hbm>>
      tpu.enqueue_dma source(%arg12 : memref<32xf32, #tpu.memory_space<vmem>>) target(%dma_start3A_720 : memref<32xf32, #tpu.memory_space<hbm>>) target_semaphore(%run_scoped3A : memref<!tpu.dma_semaphore, #tpu.memory_space<semaphore_mem>>)
      %dma_wait3A_721 = tpu.memref_slice %arg6[%mul3A_2] : memref<1024xf32, #tpu.memory_space<hbm>> -> memref<32xf32, #tpu.memory_space<hbm>>
      %dma_wait3A_722 = tpu.memref_slice %arg6[%mul3A_2] : memref<1024xf32, #tpu.memory_space<hbm>> -> memref<32xf32, #tpu.memory_space<hbm>>
      tpu.wait_dma2 semaphore(%run_scoped3A : memref<!tpu.dma_semaphore, #tpu.memory_space<semaphore_mem>>) src(%arg12 : memref<32xf32, #tpu.memory_space<vmem>>) dst(%dma_wait3A_722 : memref<32xf32, #tpu.memory_space<hbm>>)
      tpu.yield
    }) : () -> ()
    return
  }
}

module attributes {stable_mosaic.version = 14 : i64} {
  func.func @body(%arg0: i32, %arg1: memref<1024x768xf32, #tpu.memory_space<vmem>>, %arg2: memref<2000x768xf32, #tpu.memory_space<vmem>>, %arg3: memref<1x1x2000xf32, #tpu.memory_space<vmem>>, %arg4: memref<1024x1xf32, #tpu.memory_space<vmem>>, %arg5: memref<1024x1xi32, #tpu.memory_space<vmem>>, %arg6: memref<1x1xf32, #tpu.memory_space<smem>>, %arg7: memref<1024x1xf32, #tpu.memory_space<vmem>>, %arg8: memref<1024x768xbf16, #tpu.memory_space<vmem>>) attributes {dimension_semantics = [#tpu.dimension_semantics<arbitrary>], iteration_bounds = array<i64: 50>, scalar_prefetch = 0 : i64, scratch_operands = 2 : i64, tpu.core_type = #tpu.core_type<tc>, window_params = [{pipeline_mode = #tpu.pipeline_mode<synchronous>, transform_indices = @transform_0, window_bounds = array<i64: 1024, 768>}, {transform_indices = @transform_1, window_bounds = array<i64: 2000, 768>}, {transform_indices = @transform_2, window_bounds = array<i64: 1, 1, 2000>}, {pipeline_mode = #tpu.pipeline_mode<synchronous>, transform_indices = @transform_3, window_bounds = array<i64: 1024, 1>}, {pipeline_mode = #tpu.pipeline_mode<synchronous>, transform_indices = @transform_4, window_bounds = array<i64: 1024, 1>}, {transform_indices = @transform_5, window_bounds = array<i64: 1, 1>}]} {
    %eq3A = arith.constant 0 : i32
    %eq3A_0 = arith.cmpi eq, %arg0, %eq3A : i32
    %convert_element_type3A = arith.extui %eq3A_0 : i1 to i32
    %cond3A = arith.constant 0 : i32
    %cond3A_1 = arith.cmpi ne, %convert_element_type3A, %cond3A : i32
    scf.if %cond3A_1 {
      %broadcast_in_dim3A_29 = arith.constant 0.000000e+00 : f32
      %broadcast_in_dim3A_30 = vector.broadcast %broadcast_in_dim3A_29 : f32 to vector<1024x1xf32>
      %swap3A_31 = arith.constant 0 : index
      %swap3A_32 = arith.constant 0 : index
      %swap3A_33 = vector.load %arg7[%swap3A_31, %swap3A_32] : memref<1024x1xf32, #tpu.memory_space<vmem>>, vector<1024x1xf32>
      tpu.vector_store %arg7[%swap3A_31, %swap3A_32], %broadcast_in_dim3A_30 {strides = array<i32>} : memref<1024x1xf32, #tpu.memory_space<vmem>>, vector<1024x1xf32>,
      %get3A_34 = arith.constant 0 : index
      %get3A_35 = arith.constant 0 : index
      %get3A_36 = vector.load %arg1[%get3A_34, %get3A_35] : memref<1024x768xf32, #tpu.memory_space<vmem>>, vector<1024x768xf32>
      %mul3A_37 = arith.constant 1.44269502 : f32
      %mul3A_38 = vector.broadcast %mul3A_37 : f32 to vector<1024x768xf32>
      %mul3A_39 = arith.mulf %get3A_36, %mul3A_38 : vector<1024x768xf32>
      %convert_element_type3A_40 = arith.truncf %mul3A_39 : vector<1024x768xf32> to vector<1024x768xbf16>
      %swap3A_41 = arith.constant 0 : index
      %swap3A_42 = arith.constant 0 : index
      %swap3A_43 = vector.load %arg8[%swap3A_41, %swap3A_42] : memref<1024x768xbf16, #tpu.memory_space<vmem>>, vector<1024x768xbf16>
      tpu.vector_store %arg8[%swap3A_41, %swap3A_42], %convert_element_type3A_40 {strides = array<i32>} : memref<1024x768xbf16, #tpu.memory_space<vmem>>, vector<1024x768xbf16>,
    } else {
    }
    %get3A = arith.constant 0 : index
    %get3A_2 = arith.constant 0 : index
    %get3A_3 = vector.load %arg8[%get3A, %get3A_2] : memref<1024x768xbf16, #tpu.memory_space<vmem>>, vector<1024x768xbf16>
    %get3A_4 = arith.constant 0 : index
    %get3A_5 = arith.constant 0 : index
    %get3A_6 = vector.load %arg2[%get3A_4, %get3A_5] : memref<2000x768xf32, #tpu.memory_space<vmem>>, vector<2000x768xf32>
    %convert_element_type3A_7 = arith.truncf %get3A_6 : vector<2000x768xf32> to vector<2000x768xbf16>
    %dot_general3A = arith.constant dense<0.000000e+00> : vector<1024x2000xf32>
    %dot_general3A_8 = tpu.matmul %get3A_3, %convert_element_type3A_7, %dot_general3A {dimension_numbers = #tpu.dot_dimension_numbers<[1], [1], [0], [0], [0, 0, 1, 0], [], []>, transpose_lhs_hint = false} : vector<1024x768xbf16>, vector<2000x768xbf16>, vector<1024x2000xf32> -> vector<1024x2000xf32>
    %get3A_9 = arith.constant 0 : index
    %get3A_10 = arith.constant 0 : index
    %get3A_11 = arith.constant 0 : index
    %get3A_12 = vector.load %arg3[%get3A_9, %get3A_10, %get3A_11] : memref<1x1x2000xf32, #tpu.memory_space<vmem>>, vector<1x1x2000xf32>
    %get3A_13 = vector.shape_cast %get3A_12 : vector<1x1x2000xf32> to vector<1x2000xf32>
    %mul3A = arith.constant 1.44269502 : f32
    %mul3A_14 = vector.broadcast %mul3A : f32 to vector<1x2000xf32>
    %mul3A_15 = arith.mulf %get3A_13, %mul3A_14 : vector<1x2000xf32>
    %add3A = vector.broadcast %mul3A_15 : vector<1x2000xf32> to vector<1024x2000xf32>
    %add3A_16 = arith.addf %dot_general3A_8, %add3A : vector<1024x2000xf32>
    %get3A_17 = arith.constant 0 : index
    %get3A_18 = arith.constant 0 : index
    %get3A_19 = vector.load %arg7[%get3A_17, %get3A_18] : memref<1024x1xf32, #tpu.memory_space<vmem>>, vector<1024x1xf32>
    %exp23A = math.exp2 %add3A_16 : vector<1024x2000xf32>
    %reduce_sum3A = arith.constant dense<0.000000e+00> : vector<1024xf32>
    %reduce_sum3A_20 = vector.multi_reduction <add>, %exp23A, %reduce_sum3A [1] : vector<1024x2000xf32> to vector<1024xf32>
    %broadcast_in_dim3A = vector.shape_cast %reduce_sum3A_20 : vector<1024xf32> to vector<1024x1xf32>
    %add3A_21 = arith.addf %get3A_19, %broadcast_in_dim3A : vector<1024x1xf32>
    %swap3A = arith.constant 0 : index
    %swap3A_22 = arith.constant 0 : index
    %swap3A_23 = vector.load %arg7[%swap3A, %swap3A_22] : memref<1024x1xf32, #tpu.memory_space<vmem>>, vector<1024x1xf32>
    tpu.vector_store %arg7[%swap3A, %swap3A_22], %add3A_21 {strides = array<i32>} : memref<1024x1xf32, #tpu.memory_space<vmem>>, vector<1024x1xf32>,
    %eq3A_24 = arith.constant 49 : i32
    %eq3A_25 = arith.cmpi eq, %arg0, %eq3A_24 : i32
    %convert_element_type3A_26 = arith.extui %eq3A_25 : i1 to i32
    %cond3A_27 = arith.constant 0 : i32
    %cond3A_28 = arith.cmpi ne, %convert_element_type3A_26, %cond3A_27 : i32
    scf.if %cond3A_28 {
      %get3A_29 = arith.constant 0 : index
      %get3A_30 = arith.constant 0 : index
      %get3A_31 = vector.load %arg7[%get3A_29, %get3A_30] : memref<1024x1xf32, #tpu.memory_space<vmem>>, vector<1024x1xf32>
      %log3A = math.log %get3A_31 : vector<1024x1xf32>
      %get3A_32 = arith.constant 0 : index
      %get3A_33 = arith.constant 0 : index
      %get3A_34 = vector.load %arg4[%get3A_32, %get3A_33] : memref<1024x1xf32, #tpu.memory_space<vmem>>, vector<1024x1xf32>
      %sub3A = arith.subf %log3A, %get3A_34 : vector<1024x1xf32>
      %get3A_35 = arith.constant 0 : index
      %get3A_36 = arith.constant 0 : index
      %get3A_37 = vector.load %arg5[%get3A_35, %get3A_36] : memref<1024x1xi32, #tpu.memory_space<vmem>>, vector<1024x1xi32>
      %ne3A = arith.constant 0 : i32
      %ne3A_38 = vector.broadcast %ne3A : i32 to vector<1024x1xi32>
      %ne3A_39 = arith.cmpi ne, %get3A_37, %ne3A_38 : vector<1024x1xi32>
      %jit3A = arith.constant 0.000000e+00 : f32
      %broadcast_in_dim3A_40 = vector.broadcast %jit3A : f32 to vector<1024x1xf32>
      %select_n3A = arith.select %ne3A_39, %sub3A, %broadcast_in_dim3A_40 : vector<1024x1xi1>, vector<1024x1xf32>
      %reduce_sum3A_41 = vector.shape_cast %select_n3A : vector<1024x1xf32> to vector<1x1024x1xf32>
      %reduce_sum3A_42 = arith.constant dense<0.000000e+00> : vector<1xf32>
      %reduce_sum3A_43 = vector.multi_reduction <add>, %reduce_sum3A_41, %reduce_sum3A_42 [1, 2] : vector<1x1024x1xf32> to vector<1xf32>
      %reduce_sum3A_44 = vector.shape_cast %reduce_sum3A_43 : vector<1xf32> to vector<1x1x1xf32>
      %reduce_sum3A_45 = vector.extract %reduce_sum3A_44[0, 0, 0] : f32 from vector<1x1x1xf32>
      %swap3A_46 = arith.constant 0 : index
      %swap3A_47 = arith.constant 0 : index
      %swap3A_48 = memref.load %arg6[%swap3A_46, %swap3A_47] : memref<1x1xf32, #tpu.memory_space<smem>>
      memref.store %reduce_sum3A_45, %arg6[%swap3A_46, %swap3A_47] : memref<1x1xf32, #tpu.memory_space<smem>>
    } else {
    }
    return
  }
  func.func @transform_0(%arg0: i32) -> (i32, i32) {
    %c0_i32 = arith.constant 0 : i32
    %c0_i32_0 = arith.constant 0 : i32
    %c0_i32_1 = arith.constant 0 : i32
    return %c0_i32, %c0_i32_0 : i32, i32
  }
  func.func @transform_1(%arg0: i32) -> (i32, i32) {
    %c0_i32 = arith.constant 0 : i32
    %c0_i32_0 = arith.constant 0 : i32
    return %arg0, %c0_i32 : i32, i32
  }
  func.func @transform_2(%arg0: i32) -> (i32, i32, i32) {
    %c0_i32 = arith.constant 0 : i32
    %c0_i32_0 = arith.constant 0 : i32
    %c0_i32_1 = arith.constant 0 : i32
    return %arg0, %c0_i32, %c0_i32_0 : i32, i32, i32
  }
  func.func @transform_3(%arg0: i32) -> (i32, i32) {
    %c0_i32 = arith.constant 0 : i32
    %c0_i32_0 = arith.constant 0 : i32
    %c0_i32_1 = arith.constant 0 : i32
    return %c0_i32, %c0_i32_0 : i32, i32
  }
  func.func @transform_4(%arg0: i32) -> (i32, i32) {
    %c0_i32 = arith.constant 0 : i32
    %c0_i32_0 = arith.constant 0 : i32
    %c0_i32_1 = arith.constant 0 : i32
    return %c0_i32, %c0_i32_0 : i32, i32
  }
  func.func @transform_5(%arg0: i32) -> (i32, i32) {
    %c0_i32 = arith.constant 0 : i32
    %c0_i32_0 = arith.constant 0 : i32
    %c0_i32_1 = arith.constant 0 : i32
    return %c0_i32, %c0_i32_0 : i32, i32
  }
}

</mosaic_0001>

<sc_bundles>
// kernel: kernel.4.cloned.1.call-start
scs
__scs_entry_jumppad:
0x0: {  	(pc) =	sbr.rel $0x88, $3  }
0x1: {  	(tag) =	ssettag $0x0;
	lr =	simm.s32 $0x1  }
0x2: {  	[smem:$0x3F9D] =	sst lr;
	_ =	strace $0xD0000000  }
0x3: {  	_ = 	snop  }
0x4: {  	_ = 	snop  }
0x5: {  	_ = 	snop  }
0x6: {  	_ = 	snop  }
0x7: {  	_ = 	snop  }
__scs_overlays_trampoline_lowered:
0x8: {  	[smem:$0x3FAC] =	sst s0  }
0x9: {  	[smem:$0x3FAD] =	sst s1  }
0xa: {  	[smem:$0x3FAE] =	sst s2  }
0xb: {  	[smem:$0x3FAF] =	sst s3  }
0xc: {  	[smem:$0x3FB0] =	sst s4  }
0xd: {  	[smem:$0x3FB1] =	sst s5  }
0xe: {  	[smem:$0x3FB2] =	sst s6  }
0xf: {  	[smem:$0x3FB3] =	sst s7  }
0x10: {  	[smem:$0x3FB4] =	sst s8  }
0x11: {  	[smem:$0x3FB5] =	sst s9;
	s0 =	simm.s32 @!p0 $0x0  }
0x12: {  	s1 =	sld [smem:$0x3F9B];
	s0 =	simm.s32 @p0 $0x1  }
0x13: {  	[smem:$0x3FB6] =	sst s0;
	s0 =	simm.s32 @!p1 $0x0  }
0x14: {  	s2 =	sld [smem:$0x3F9A];
	s0 =	simm.s32 @p1 $0x1  }
0x15: {  	[smem:$0x3FB7] =	sst s0;
	s0 =	simm.s32 @!p2 $0x0  }
0x16: {  	s3 =	sld [smem:$0x3FDB];
	s0 =	simm.s32 @p2 $0x1  }
0x17: {  	s4 =	simm.s32 $0x1BF5;
	[smem:$0x3FB9] =	sst s0  }
0x18: {  	s0 =	sld [smem:$0x3F9C];
	_ =	swait.ge [sflag:s4], $0x0  }
0x19: {  	s7 =	sld [smem:$0x3F9D]  }
0x1a: {  	s8 =	sadd.s32 $0xFFFFE003, lr  }
0x1b: {  	s9 =	sadd.s32 $0xFFFFFEF7, lr;
	s5 =	simm.s32 $0xFFFFFFFF;
	p2 =	slt.u32 s8, $0xFFFFF086  }
0x1c: {  	p1 =	slt.u32 s9, $0xF7A;
	s5 =	simm.s32 @!p2 $0x0  }
0x1d: {  	s5 =	simm.s32 @p1 $0x1;
	p0 =	seq.s32 s7, s2  }
0x1e: {  	s7 =	smul.u32 @!p0 $0xF7A, s2;
	p2 =	seq.s32 @!p0 s5, $0x0  }
0x1f: {  	s9 =	smul.u32 $0xF7A, s1;
	s8 =	simm.s32 @!p0 $0x1BF5;
	p2 =	por !p2, p0  }
0x20: {  	[sflag:s8] =	ssyncset.s32 @!p0 $0xFFFFF086;
	s6 =	sadd.s32 @!p0 s3, s7;
	s7 =	simm.s32 @!p0 $0x108  }
0x21: {  	s3 =	sadd.s32 s3, s9;
	s6 =	sadd.s32 @!p0 $0x88, s6;
	s7 =	simm.s32 @p2 $0x1082  }
0x22: {  	[simem:s7], [sflag:s8] =	dma.local @!p0 [hbm:s6], $0xF7A  }
0x23: {  	s9 =	sor.u32 $0xD0000000, s2;
	s6 =	simm.s32 $0x108;
	_ =	swait.ge @!p0 [sflag:s8], $0x0  }
0x24: {  	s3 =	sadd.s32 $0x88, s3;
	s6 =	simm.s32 @!p1 $0x1082;
	[sflag:s4] =	ssyncset.s32 $0xFFFFF086  }
0x25: {  	[simem:s6], [sflag:s4] =	dma.local [hbm:s3], $0xF7A  }
0x26: {  	[smem:$0x3F9D] =	sst s1;
	(tag) =	ssettag s2;
	_ =	strace s9  }
0x27: {  	s1 =	sld [smem:$0x3FAD]  }
0x28: {  	s2 =	sld [smem:$0x3FAE]  }
0x29: {  	s4 =	sld [smem:$0x3FB0]  }
0x2a: {  	p0 =	seq.s32 s5, $0x0;
	s5 =	sld [smem:$0x3FB1]  }
0x2b: {  	s6 =	sld [smem:$0x3FB2]  }
0x2c: {  	s7 =	sld [smem:$0x3FB3]  }
0x2d: {  	s3 =	simm.s32 $0x108;
	s8 =	sld [smem:$0x3FB4]  }
0x2e: {  	s3 =	simm.s32 @!p0 $0x1082;
	s9 =	sld [smem:$0x3FB5]  }
0x2f: {  	lr =	sadd.s32 s0, s3;
	s0 =	sld [smem:$0x3FAC]  }
0x30: {  	s3 =	sld [smem:$0x3FAF]  }
0x31: {  	[smem:$0x3FB8] =	sst s10  }
0x32: {  	s10 =	sld [smem:$0x3FB6];
	_ =	sdelay $0x3  }
0x33: {  	p0 =	seq.s32 s10, $0x1;
	s10 =	sld [smem:$0x3FB8];
	_ =	sdelay $0x3  }
0x34: {  	[smem:$0x3FB8] =	sst s10  }
0x35: {  	s10 =	sld [smem:$0x3FB7];
	_ =	sdelay $0x3  }
0x36: {  	p1 =	seq.s32 s10, $0x1;
	s10 =	sld [smem:$0x3FB8];
	_ =	sdelay $0x3  }
0x37: {  	[smem:$0x3FB8] =	sst s10  }
0x38: {  	s10 =	sld [smem:$0x3FB9]  }
0x39: {  	_ = 	snop;
	(pc) =	sbr.ind lr, $3  }
0x3a: {  	_ = 	snop  }
0x3b: {  	_ = 	snop  }
0x3c: {  	p2 =	seq.s32 s10, $0x1;
	s10 =	sld [smem:$0x3FB8]  }
0x3d: {  	_ =	shalt  }
0x3e: {  	_ =	shalt  }
0x3f: {  	_ =	shalt  }
0x40: {  	_ =	shalt  }
0x41: {  	_ =	shalt  }
0x42: {  	_ =	shalt  }
0x43: {  	_ =	shalt  }
0x44: {  	_ =	shalt  }
0x45: {  	_ =	shalt  }
0x46: {  	_ =	shalt  }
0x47: {  	_ =	shalt  }
0x48: {  	_ =	shalt  }
0x49: {  	_ =	shalt  }
0x4a: {  	_ =	shalt  }
0x4b: {  	_ =	shalt  }
0x4c: {  	_ =	shalt  }
0x4d: {  	_ =	shalt  }
0x4e: {  	_ =	shalt  }
0x4f: {  	_ =	shalt  }
0x50: {  	_ =	shalt  }
0x51: {  	_ =	shalt  }
0x52: {  	_ =	shalt  }
0x53: {  	_ =	shalt  }
0x54: {  	_ =	shalt  }
0x55: {  	_ =	shalt  }
0x56: {  	_ =	shalt  }
0x57: {  	_ =	shalt  }
0x58: {  	_ =	shalt  }
0x59: {  	_ =	shalt  }
0x5a: {  	_ =	shalt  }
0x5b: {  	_ =	shalt  }
0x5c: {  	_ =	shalt  }
0x5d: {  	_ =	shalt  }
0x5e: {  	_ =	shalt  }
0x5f: {  	_ =	shalt  }
0x60: {  	_ =	shalt  }
0x61: {  	_ =	shalt  }
0x62: {  	_ =	shalt  }
0x63: {  	_ =	shalt  }
0x64: {  	_ =	shalt  }
0x65: {  	_ =	shalt  }
0x66: {  	_ =	shalt  }
0x67: {  	_ =	shalt  }
0x68: {  	_ =	shalt  }
0x69: {  	_ =	shalt  }
0x6a: {  	_ =	shalt  }
0x6b: {  	_ =	shalt  }
0x6c: {  	_ =	shalt  }
0x6d: {  	_ =	shalt  }
0x6e: {  	_ =	shalt  }
0x6f: {  	_ =	shalt  }
0x70: {  	_ =	shalt  }
0x71: {  	_ =	shalt  }
0x72: {  	_ =	shalt  }
0x73: {  	_ =	shalt  }
0x74: {  	_ =	shalt  }
0x75: {  	_ =	shalt  }
0x76: {  	_ =	shalt  }
0x77: {  	_ =	shalt  }
0x78: {  	_ =	shalt  }
0x79: {  	_ =	shalt  }
0x7a: {  	_ =	shalt  }
0x7b: {  	_ =	shalt  }
0x7c: {  	_ =	shalt  }
0x7d: {  	_ =	shalt  }
0x7e: {  	_ =	shalt  }
0x7f: {  	_ =	shalt  }
0x80: {  	_ =	shalt  }
0x81: {  	_ =	shalt  }
0x82: {  	_ =	shalt  }
0x83: {  	_ =	shalt  }
0x84: {  	_ =	shalt  }
0x85: {  	_ =	shalt  }
0x86: {  	_ =	shalt  }
0x87: {  	_ =	shalt  }
.Lfunc_end0:
.L_simem_size_0:
called_computation_lowered:
.L_overlay_start_0:
0x88: {  	s2 =	sld [smem:$0x3FD9]  }
0x89: {  	s3 =	sld [smem:$0x3FFE];
	_ =	sdelay $0x1  }
0x8a: {  	s1 =	srdreg.scid  }
0x8b: {  	s0 =	sand.u32 $0x1, s1  }
0x8c: {  	s17 =	sshll.u32 s0, $0xA;
	s2 =	sadd.s32 s3, s2  }
0x8d: {  	s2 =	sadd.s32 s2, s17  }
0x8e: {  	[smem:$0x3FC4] =	sst s2  }
0x8f: {  	_ = 	snop  }
0x90: {  	s2 =	sld [smem:$0x3FC9]  }
0x91: {  	s18 =	sld [smem:$0x3FC7];
	(tm) =	ssettm $0x1  }
0x92: {  	s4 =	sld [smem:$0x3FFB];
	_ =	sdelay $0x3  }
0x93: {  	_ =	strace s4  }
0x94: {  	s4 =	sld [smem:$0x3FFC];
	_ =	sdelay $0x3  }
0x95: {  	_ =	strace s4  }
0x96: {  	s4 =	sld [smem:$0x3FFD];
	_ =	sdelay $0x3  }
0x97: {  	_ =	strace s4  }
0x98: {  	_ =	strace $0x8FFFFFFF  }
0x99: {  	s19 =	sld [smem:$0x3FDB];
	_ =	sdelay $0x1  }
0x9a: {  	s5 =	simm.s32 $_scs_section_size  }
0x9b: {  	s6 =	simm.s32 $_size__tile_overlayer_lowered;
	s7 =	simm.s32 $_tile_overlayer_lowered  }
0x9c: {  	s22 =	simm.s32 $0x1BFF;
	s21 =	sshll.u32 s7, $0x1;
	s4 =	sadd.s32 s5, s19  }
0x9d: {  	s8 =	simm.s32 $0x0;
	s20 =	sshll.u32 s6, $0x1;
	s6 =	sadd.s32 s21, s4  }
0x9e: {  	[timem:s8], [sflag:s22] =	dma.local [hbm:s6], s20  }
0x9f: {  	_ =	swait.ge [sflag:s22], s20  }
0xa0: {  	s5 =	ssub.s32 $0x0, s20;
	[sflag:s22] =	ssyncset.done $0x0  }
0xa1: {  	[sflag:s22] =	ssyncadd.s32 s5;
	_ =	sdelay $0x1  }
0xa2: {  	s23 =	simm.s32 $0x1B8B  }
0xa3: {  	_ =	swait.ge [sflag:s23], $0x1  }
0xa4: {  	[sflag:s23] =	ssyncset.done $0x0  }
0xa5: {  	s25 =	simm.s32 $0x1B8E;
	s24 =	sld [smem:$0x3FFE];
	[sflag:s23] =	ssyncadd.s32 $0xFFFFFFFF  }
0xa6: {  	s26 =	simm.s32 $execute0_lowered;
	[smem:$0x3FD2] =	sst s25  }
0xa7: {  	s6 =	sshll.u32 s26, $0x1;
	_ =	strace $0x80000046;
	[dreg:$0x1] =	wrdreg $0xFFFFFFFF  }
0xa8: {  	s28 =	simm.s32 $_size_execute0_lowered;
	s4 =	sadd.s32 s4, s6;
	[dreg:$0x0] =	wrdreg $0x0  }
0xa9: {  	s6 =	sshll.u32 s28, $0x1;
	[dreg:$0x2] =	wrdreg s4  }
0xaa: {  	[dreg:$0x3] =	wrdreg s6  }
0xab: {  	[dreg:$0x4] =	wrdreg $0xC0  }
0xac: {  	_ =	task [dreg:s8], $0x5FFFF  }
0xad: {  	[dreg:$0x1] =	wrdreg $0xFFFFFFFF  }
0xae: {  	[dreg:$0x0] =	wrdreg $0x60  }
0xaf: {  	[dreg:$0x2] =	wrdreg s2  }
0xb0: {  	[dreg:$0x3] =	wrdreg s24  }
0xb1: {  	[dreg:$0x4] =	wrdreg s18  }
0xb2: {  	[dreg:$0x5] =	wrdreg $0x9  }
0xb3: {  	_ =	task.clear_ibuf [dreg:s8], $0x6FFFF;
	_ =	strace $0x90000046  }
0xb4: {  	s29 =	simm.s32 $0x9;
	_ =	strace $0x80000048  }
0xb5: {  	_ =	swait.ge [sflag:s29], $0x1  }
0xb6: {  	[sflag:s29] =	ssyncadd.s32 $0xFFFFFFFF  }
0xb7: {  	_ =	strace $0x90000048  }
0xb8: {  	_ =	sfence  }
0xb9: {  	s30 =	sld [smem:$0x0];
	_ =	sdelay $0x2  }
0xba: {  	s31 =	sshll.u32 s1, $0xD;
	s1 =	sshrl.u32 s1, $0x2  }
0xbb: {  	s3 =	sand.u32 $0x4000, s31;
	s1 =	sadd.s32 s1, s30  }
0xbc: {  	s0 =	sor.u32 s3, s0;
	s1 =	sshll.u32 s1, $0x11  }
0xbd: {  	s0 =	sor.u32 s1, s0  }
0xbe: {  	s0 =	sadd.s32 $0x8F2B, s0  }
0xbf: {  	[sflag:s0] =	ssyncadd.remote.s32 $0x1  }
0xc0: {  	_ =	sfence.sel $0xFFFF  }
0xc1: {  	[dreg:$0x0] =	wrdreg $0xFFFFFFFF;
	(pc) =	sbr.abs _section_cstart, $3  }
0xc2: {  	[dreg:$0x1] =	wrdreg $0xFFFFFFFF  }
0xc3: {  	_ =	task.clear_ibuf [dreg:s8], $0x2FFFF;
	_ =	strace $0x9FFFFFFF  }
0xc4: {  	(tm) =	ssettm $0x7FFFFFFF  }
0xc5: {  	_ =	shalt  }
tec
execute0_lowered:
.L_overlay_start_1:
0x0: {  	(tag) =	ssettag $0x1  }
0x1: {  	s0 =	rddreg [dreg:$0x0]  }
0x2: {  	s2 =	rddreg [dreg:$0x1]  }
0x3: {  	s1 =	rddreg [dreg:$0x2];
	s3 =	simm.s32 $0x0;
	s4 =	srdreg.scid  }
0x4: {  	s6 =	stileid.u32;
	s11 =	simm.s32 $0x2;
	s15 =	simm.s32 $0x1900  }
0x5: {  	s16 =	simm.s32 $0x2100;
	s17 =	simm.s32 $0x2900;
	s18 =	simm.s32 $0x3100  }
0x6: {  	s19 =	simm.s32 $0x3900;
	s20 =	simm.s32 $0x4100;
	s21 =	simm.s32 $0x4900  }
0x7: {  	s22 =	simm.s32 $0x5100;
	s23 =	simm.s32 $0x5900;
	s24 =	simm.s32 $0x1  }
0x8: {  	s25 =	simm.s32 $0x20;
	s28 =	simm.s32 $0xC100;
	s29 =	simm.s32 $0x6100  }
0x9: {  	v3 =	vlaneseq.u32;
	vm0 =	vmmov $0xffff;
	vm1 =	vmmov $0x1;
	s30 =	simm.s32 $0xD100;
	s31 =	simm.s32 $0x0;
	[smem:$0x7FF] =	sst s3  }
0xa: {  	vm4 =	vcmask $0xF0C;
	vm5 =	vcmask $0x1310;
	vm6 =	vcmask $0x1714;
	s5 =	sand.u32 $0x1, s4;
	s6 =	sshll.u32 s6, $0x3;
	s4 =	sadd.s32 $0x1600, s2  }
0xb: {  	vm7 =	vcmask $0x1B18;
	vm8 =	vcmask $0x1F1C;
	vm9 =	vcmask $0x2320;
	_ =	strace $0x80000047;
	s7 =	sshll.u32 s5, $0x2;
	s5 =	ssub.s32 $0x2, s5  }
0xc: {  	vm10 =	vcmask $0x2724;
	vm11 =	vcmask $0x2B28;
	vm12 =	vcmask $0x2F2C;
	s6 =	sor.u32 s7, s6;
	s26 =	sshrl.u32 s5, $0x1;
	s7 =	sadd.s32 $0x200, s1  }
0xd: {  	vm13 =	vcmask $0x3330;
	vm14 =	vcmask $0x3734;
	vm15 =	vcmask $0x3B38;
	s2 =	sadd.s32 s6, s2;
	s8 =	smul.u32 $0x300, s6;
	s10 =	ssub.s32 s5, s26  }
0xe: {  	vm2 =	vmmov $0x7fff;
	v1 =	vshrl.u32 v3, $0x3;
	v0 =	vand.u32 $0x7, v3;
	s6 =	sadd.s32 $0x100, s1;
	s26 =	simm.s32 $0x80;
	s5 =	sadd.s32 $0x1400, s2  }
0xf: {  	v2 =	vor.u32 $0x8, v3;
	v3 =	vmul.u32 $0x80, v3;
	v1 =	vmul.u32 $0x8, v1;
	s9 =	sadd.s32 $0x4800, s2;
	s10 =	smax.u32 s10, $0x1;
	s8 =	sadd.s32 s0, s8  }
.LBB2_1:
0x10: {  	[tilespmem:s3], [sflag:$0x2] =	stream.linear.gather [hbm4b:s5+s3], $0x20, $0x38;
	[tilespmem:$0xD180] =	vst v63  }
0x11: {  	_ =	swait.ge [sflag:s11], $0x20  }
0x12: {  	[sflag:s11] =	ssyncset.done $0x0  }
0x13: {  	[sflag:s11] =	ssyncadd.s32 $0xFFFFFFE0  }
0x14: {  	v4 =	vld [tilespmem:$0x0];
	_ =	sdelay $0x4  }
0x15: {  	v5 =	vshrl.u32 v4, $0x3  }
0x16: {  	v5 =	vmul.u32 $0x30, v5  }
0x17: {  	v4 =	vand.u32 $0x7, v4  }
0x18: {  	v6 =	vld [tilespmem:$0x0];
	v4 =	vor.u32 v4, v5  }
0x19: {  	v5 =	vld [tilespmem:$0x10];
	v7 =	vperm.xlane v4, v0;
	_ =	sdelay $0x1  }
0x1a: {  	v7 =	vadd.s32 v1, v7;
	_ =	sdelay $0x1  }
0x1b: {  	v6 =	vshrl.u32 v6, $0x7  }
0x1c: {  	[tilespmem:$0x80] =	vst v6;
	v5 =	vshrl.u32 v5, $0x7  }
0x1d: {  	s0 =	simm.s32 $0x100;
	v4 =	vperm.xlane v4, v2;
	[tilespmem:$0x90] =	vst v5  }
0x1e: {  	[tilespmem:s0], [sflag:$0x1] =	stream.indirect_vreg.gather [hbm4b:s1+s3], $0x80, v7, vm0, $0xb8;
	[tilespmem:$0xD180] =	vst v63  }
0x1f: {  	s12 =	simm.s32 $0x900;
	v4 =	vadd.s32 v1, v4  }
0x20: {  	[tilespmem:s12], [sflag:$0x1] =	stream.indirect_vreg.gather [hbm4b:s6+s3], $0x80, v7, vm0, $0xb8;
	[tilespmem:$0xD180] =	vst v63  }
0x21: {  	s13 =	simm.s32 $0x1100  }
0x22: {  	[tilespmem:s13], [sflag:$0x1] =	stream.indirect_vreg.gather [hbm4b:s7+s3], $0x80, v7, vm0, $0xb8;
	[tilespmem:$0xD180] =	vst v63  }
0x23: {  	_ = 	snop  }
0x24: {  	[tilespmem:s15], [sflag:$0x1] =	stream.indirect_vreg.gather [hbm4b:s1+s3], $0x80, v4, vm0, $0xb8;
	[tilespmem:$0xD180] =	vst v63  }
0x25: {  	_ = 	snop  }
0x26: {  	[tilespmem:s16], [sflag:$0x1] =	stream.indirect_vreg.gather [hbm4b:s6+s3], $0x80, v4, vm0, $0xb8;
	[tilespmem:$0xD180] =	vst v63  }
0x27: {  	_ = 	snop  }
0x28: {  	[tilespmem:s17], [sflag:$0x1] =	stream.indirect_vreg.gather [hbm4b:s7+s3], $0x80, v4, vm0, $0xb8;
	[tilespmem:$0xD180] =	vst v63  }
0x29: {  	v4 =	vld [tilespmem:$0x10];
	_ =	sdelay $0x4  }
0x2a: {  	v5 =	vshrl.u32 v4, $0x3  }
0x2b: {  	v5 =	vmul.u32 $0x30, v5  }
0x2c: {  	v4 =	vand.u32 $0x7, v4  }
0x2d: {  	v4 =	vor.u32 v4, v5  }
0x2e: {  	v5 =	vperm.xlane v4, v0;
	_ =	sdelay $0x1  }
0x2f: {  	v5 =	vadd.s32 v1, v5;
	_ =	sdelay $0x3  }
0x30: {  	v4 =	vperm.xlane v4, v2  }
0x31: {  	[tilespmem:s18], [sflag:$0x1] =	stream.indirect_vreg.gather [hbm4b:s1+s3], $0x80, v5, vm0, $0xb8;
	[tilespmem:$0xD180] =	vst v63  }
0x32: {  	v4 =	vadd.s32 v1, v4  }
0x33: {  	[tilespmem:s19], [sflag:$0x1] =	stream.indirect_vreg.gather [hbm4b:s6+s3], $0x80, v5, vm0, $0xb8;
	[tilespmem:$0xD180] =	vst v63  }
0x34: {  	_ = 	snop  }
0x35: {  	[tilespmem:s20], [sflag:$0x1] =	stream.indirect_vreg.gather [hbm4b:s7+s3], $0x80, v5, vm0, $0xb8;
	[tilespmem:$0xD180] =	vst v63  }
0x36: {  	_ = 	snop  }
0x37: {  	[tilespmem:s21], [sflag:$0x1] =	stream.indirect_vreg.gather [hbm4b:s1+s3], $0x80, v4, vm0, $0xb8;
	[tilespmem:$0xD180] =	vst v63  }
0x38: {  	_ = 	snop  }
0x39: {  	[tilespmem:s22], [sflag:$0x1] =	stream.indirect_vreg.gather [hbm4b:s6+s3], $0x80, v4, vm0, $0xb8;
	[tilespmem:$0xD180] =	vst v63  }
0x3a: {  	_ = 	snop  }
0x3b: {  	[tilespmem:s23], [sflag:$0x1] =	stream.indirect_vreg.gather [hbm4b:s7+s3], $0x80, v4, vm0, $0xb8;
	[tilespmem:$0xD180] =	vst v63  }
0x3c: {  	_ =	swait.ge [sflag:s24], $0x6000  }
0x3d: {  	[sflag:s24] =	ssyncset.done $0x0  }
0x3e: {  	[sflag:s24] =	ssyncadd.s32 $0xFFFFA000  }
0x3f: {  	[tilespmem:s28], [sflag:$0x1] =	stream.indirect.gather [hbm4b:s4+s25], $0x80, s26, s25, $0xb8;
	[tilespmem:$0xD180] =	vst v63  }
0x40: {  	_ =	swait.ge [sflag:s24], $0x1000  }
0x41: {  	[sflag:s24] =	ssyncset.done $0x0  }
0x42: {  	[sflag:s24] =	ssyncadd.s32 $0xFFFFF000  }
0x43: {  	[tilespmem:s29], [sflag:$0x2] =	stream.linear.gather [hbm4b:s8+s3], $0x6000, $0x38;
	[tilespmem:$0xD180] =	vst v63  }
0x44: {  	_ =	swait.ge [sflag:s11], $0x6000  }
0x45: {  	s14 =	sand.u32 $0x70, s3;
	s2 =	sand.u32 $0x1C00, s3;
	[sflag:s11] =	ssyncset.done $0x0  }
0x46: {  	s2 =	sor.u32 s14, s2;
	[sflag:s11] =	ssyncadd.s32 $0xFFFFA000  }
0x47: {  	v4 =	vld [tilespmem:s2+$0x100]  }
0x48: {  	v7 =	vld [tilespmem:s2+$0x6100];
	_ =	sdelay $0x1  }
0x49: {  	v6 =	vimm.f32 $0.0e+00;
	s0 =	simm.s32 $0x10;
	v5 =	vimm.f32 $0.0e+00;
	s2 =	simm.s32 $0x80  }
.LBB2_2:
0x4a: {  	s12 =	sand.u32 $0x70, s0;
	s13 =	sand.u32 $0x1C00, s2;
	p0 =	sne.s32 s0, $0x2F0  }
.Ltmp0:
0x4b: {  	s0 =	sadd.s32 $0x10, s0;
	s12 =	sor.u32 s12, s13;
	(pc) =	sbr.rel @p0 .LBB2_2-.Ltmp0, $4  }
0x4c: {  	v8 =	vmul.f32 v7, v4;
	v4 =	vld [tilespmem:s12+$0x100]  }
0x4d: {  	v7 =	vld [tilespmem:s12+$0x6100]  }
0x4e: {  	v6 =	vadd.f32 v8, v6  }
0x4f: {  	s2 =	sadd.s32 $0x80, s2  }
0x50: {  	s0 =	simm.s32 $0x0  }
0x51: {  	s2 =	sand.u32 $0x70, s0;
	s0 =	sand.u32 $0x1C00, s0  }
0x52: {  	v4 =	vmul.f32 v7, v4;
	s0 =	sor.u32 s0, s2  }
0x53: {  	v7 =	vld [tilespmem:s0+$0x180]  }
0x54: {  	v4 =	vadd.f32 v4, v6;
	v6 =	vld [tilespmem:s0+$0x6180];
	_ =	sdelay $0x1  }
0x55: {  	s12 =	simm.s32 $0x80;
	s2 =	simm.s32 $0x10  }
.LBB2_4:
0x56: {  	s13 =	sand.u32 $0x70, s2;
	s14 =	sand.u32 $0x1C00, s12;
	p0 =	sne.s32 s2, $0x2F0  }
.Ltmp1:
0x57: {  	s2 =	sadd.s32 $0x10, s2;
	s13 =	sor.u32 s14, s13;
	(pc) =	sbr.rel @p0 .LBB2_4-.Ltmp1, $4  }
0x58: {  	v8 =	vmul.f32 v6, v7;
	v7 =	vld [tilespmem:s13+$0x180]  }
0x59: {  	v6 =	vld [tilespmem:s13+$0x6180]  }
0x5a: {  	v5 =	vadd.f32 v8, v5  }
0x5b: {  	s12 =	sadd.s32 $0x80, s12  }
0x5c: {  	_ = 	snop  }
0x5d: {  	v9 =	vld [tilespmem:s0+$0x6200]  }
0x5e: {  	v7 =	vmul.f32 v6, v7;
	v6 =	vld [tilespmem:s0+$0x200];
	_ =	sdelay $0x1  }
0x5f: {  	s2 =	simm.s32 $0x10;
	v8 =	vimm.f32 $0.0e+00;
	s0 =	simm.s32 $0x80;
	v5 =	vadd.f32 v7, v5;
	v7 =	vimm.f32 $0.0e+00  }
.LBB2_6:
0x60: {  	s12 =	sand.u32 $0x70, s2;
	s13 =	sand.u32 $0x1C00, s0;
	p0 =	sne.s32 s2, $0x2F0  }
.Ltmp2:
0x61: {  	s2 =	sadd.s32 $0x10, s2;
	s12 =	sor.u32 s13, s12;
	(pc) =	sbr.rel @p0 .LBB2_6-.Ltmp2, $4  }
0x62: {  	v10 =	vmul.f32 v9, v6;
	v6 =	vld [tilespmem:s12+$0x200]  }
0x63: {  	v9 =	vld [tilespmem:s12+$0x6200]  }
0x64: {  	v8 =	vadd.f32 v10, v8  }
0x65: {  	s0 =	sadd.s32 $0x80, s0  }
0x66: {  	s0 =	simm.s32 $0x0  }
0x67: {  	s2 =	sand.u32 $0x70, s0;
	s0 =	sand.u32 $0x1C00, s0  }
0x68: {  	v6 =	vmul.f32 v9, v6;
	s0 =	sor.u32 s0, s2  }
0x69: {  	v9 =	vld [tilespmem:s0+$0x280]  }
0x6a: {  	v6 =	vadd.f32 v6, v8;
	v8 =	vld [tilespmem:s0+$0x6280];
	_ =	sdelay $0x1  }
0x6b: {  	s12 =	simm.s32 $0x80;
	s2 =	simm.s32 $0x10  }
.LBB2_8:
0x6c: {  	s13 =	sand.u32 $0x70, s2;
	s14 =	sand.u32 $0x1C00, s12;
	p0 =	sne.s32 s2, $0x2F0  }
.Ltmp3:
0x6d: {  	s2 =	sadd.s32 $0x10, s2;
	s13 =	sor.u32 s14, s13;
	(pc) =	sbr.rel @p0 .LBB2_8-.Ltmp3, $4  }
0x6e: {  	v10 =	vmul.f32 v8, v9;
	v9 =	vld [tilespmem:s13+$0x280]  }
0x6f: {  	v8 =	vld [tilespmem:s13+$0x6280]  }
0x70: {  	v7 =	vadd.f32 v10, v7  }
0x71: {  	s12 =	sadd.s32 $0x80, s12  }
0x72: {  	_ = 	snop  }
0x73: {  	v11 =	vld [tilespmem:s0+$0x6300]  }
0x74: {  	v9 =	vmul.f32 v8, v9;
	v8 =	vld [tilespmem:s0+$0x300];
	_ =	sdelay $0x1  }
0x75: {  	s2 =	simm.s32 $0x10;
	v10 =	vimm.f32 $0.0e+00;
	s0 =	simm.s32 $0x80;
	v7 =	vadd.f32 v9, v7;
	v9 =	vimm.f32 $0.0e+00  }
.LBB2_10:
0x76: {  	s12 =	sand.u32 $0x70, s2;
	s13 =	sand.u32 $0x1C00, s0;
	p0 =	sne.s32 s2, $0x2F0  }
.Ltmp4:
0x77: {  	s2 =	sadd.s32 $0x10, s2;
	s12 =	sor.u32 s13, s12;
	(pc) =	sbr.rel @p0 .LBB2_10-.Ltmp4, $4  }
0x78: {  	v12 =	vmul.f32 v11, v8;
	v8 =	vld [tilespmem:s12+$0x300]  }
0x79: {  	v11 =	vld [tilespmem:s12+$0x6300]  }
0x7a: {  	v10 =	vadd.f32 v12, v10  }
0x7b: {  	s0 =	sadd.s32 $0x80, s0  }
0x7c: {  	s0 =	simm.s32 $0x0  }
0x7d: {  	s2 =	sand.u32 $0x70, s0;
	s0 =	sand.u32 $0x1C00, s0  }
0x7e: {  	v8 =	vmul.f32 v11, v8;
	s0 =	sor.u32 s0, s2  }
0x7f: {  	v11 =	vld [tilespmem:s0+$0x380]  }
0x80: {  	v8 =	vadd.f32 v8, v10;
	v10 =	vld [tilespmem:s0+$0x6380];
	_ =	sdelay $0x1  }
0x81: {  	s12 =	simm.s32 $0x80;
	s2 =	simm.s32 $0x10  }
.LBB2_12:
0x82: {  	s13 =	sand.u32 $0x70, s2;
	s14 =	sand.u32 $0x1C00, s12;
	p0 =	sne.s32 s2, $0x2F0  }
.Ltmp5:
0x83: {  	s2 =	sadd.s32 $0x10, s2;
	s13 =	sor.u32 s14, s13;
	(pc) =	sbr.rel @p0 .LBB2_12-.Ltmp5, $4  }
0x84: {  	v12 =	vmul.f32 v10, v11;
	v11 =	vld [tilespmem:s13+$0x380]  }
0x85: {  	v10 =	vld [tilespmem:s13+$0x6380]  }
0x86: {  	v9 =	vadd.f32 v12, v9  }
0x87: {  	s12 =	sadd.s32 $0x80, s12  }
0x88: {  	_ = 	snop  }
0x89: {  	v13 =	vld [tilespmem:s0+$0x6400]  }
0x8a: {  	v11 =	vmul.f32 v10, v11;
	v10 =	vld [tilespmem:s0+$0x400];
	_ =	sdelay $0x1  }
0x8b: {  	s2 =	simm.s32 $0x10;
	v12 =	vimm.f32 $0.0e+00;
	s0 =	simm.s32 $0x80;
	v9 =	vadd.f32 v11, v9;
	v11 =	vimm.f32 $0.0e+00  }
.LBB2_14:
0x8c: {  	s12 =	sand.u32 $0x70, s2;
	s13 =	sand.u32 $0x1C00, s0;
	p0 =	sne.s32 s2, $0x2F0  }
.Ltmp6:
0x8d: {  	s2 =	sadd.s32 $0x10, s2;
	s12 =	sor.u32 s13, s12;
	(pc) =	sbr.rel @p0 .LBB2_14-.Ltmp6, $4  }
0x8e: {  	v14 =	vmul.f32 v13, v10;
	v10 =	vld [tilespmem:s12+$0x400]  }
0x8f: {  	v13 =	vld [tilespmem:s12+$0x6400]  }
0x90: {  	v12 =	vadd.f32 v14, v12  }
0x91: {  	s0 =	sadd.s32 $0x80, s0  }
0x92: {  	s0 =	simm.s32 $0x0  }
0x93: {  	s2 =	sor.u32 s0, s0  }
0x94: {  	v10 =	vmul.f32 v13, v10;
	s12 =	sor.u32 $0x380, s2  }
0x95: {  	v13 =	vld [tilespmem:s12+$0x100]  }
0x96: {  	v10 =	vadd.f32 v10, v12;
	v12 =	vld [tilespmem:s12+$0x6100];
	_ =	sdelay $0x1  }
0x97: {  	s2 =	simm.s32 $0x10;
	s12 =	simm.s32 $0x80  }
.LBB2_16:
0x98: {  	s13 =	sor.u32 s12, s2;
	p0 =	sne.s32 s2, $0x2F0  }
.Ltmp7:
0x99: {  	s2 =	sadd.s32 $0x10, s2;
	s13 =	sor.u32 $0x380, s13;
	(pc) =	sbr.rel @p0 .LBB2_16-.Ltmp7, $4  }
0x9a: {  	v14 =	vmul.f32 v12, v13;
	v13 =	vld [tilespmem:s13+$0x100]  }
0x9b: {  	v12 =	vld [tilespmem:s13+$0x6100]  }
0x9c: {  	v11 =	vadd.f32 v14, v11  }
0x9d: {  	s12 =	sadd.s32 $0x80, s12  }
0x9e: {  	s2 =	sand.u32 $0x70, s0;
	s14 =	sand.u32 $0x1C00, s0  }
0x9f: {  	s2 =	sor.u32 s2, s14  }
0xa0: {  	v13 =	vmul.f32 v12, v13;
	v12 =	vld [tilespmem:s2+$0x1900]  }
0xa1: {  	v15 =	vld [tilespmem:s2+$0x7900];
	_ =	sdelay $0x1  }
0xa2: {  	s0 =	simm.s32 $0x10;
	v14 =	vimm.f32 $0.0e+00;
	s2 =	simm.s32 $0x80;
	v11 =	vadd.f32 v13, v11;
	v13 =	vimm.f32 $0.0e+00  }
.LBB2_18:
0xa3: {  	s12 =	sand.u32 $0x70, s0;
	s13 =	sand.u32 $0x1C00, s2;
	p0 =	sne.s32 s0, $0x2F0  }
.Ltmp8:
0xa4: {  	s0 =	sadd.s32 $0x10, s0;
	s12 =	sor.u32 s12, s13;
	(pc) =	sbr.rel @p0 .LBB2_18-.Ltmp8, $4  }
0xa5: {  	v16 =	vmul.f32 v15, v12;
	v12 =	vld [tilespmem:s12+$0x1900]  }
0xa6: {  	v15 =	vld [tilespmem:s12+$0x7900]  }
0xa7: {  	v14 =	vadd.f32 v16, v14  }
0xa8: {  	s2 =	sadd.s32 $0x80, s2  }
0xa9: {  	s0 =	simm.s32 $0x0  }
0xaa: {  	s2 =	sand.u32 $0x70, s0;
	s0 =	sand.u32 $0x1C00, s0  }
0xab: {  	v12 =	vmul.f32 v15, v12;
	s0 =	sor.u32 s2, s0  }
0xac: {  	v15 =	vld [tilespmem:s0+$0x1980]  }
0xad: {  	v12 =	vadd.f32 v12, v14;
	v14 =	vld [tilespmem:s0+$0x7980];
	_ =	sdelay $0x1  }
0xae: {  	s12 =	simm.s32 $0x80;
	s2 =	simm.s32 $0x10  }
.LBB2_20:
0xaf: {  	s13 =	sand.u32 $0x70, s2;
	s14 =	sand.u32 $0x1C00, s12;
	p0 =	sne.s32 s2, $0x2F0  }
.Ltmp9:
0xb0: {  	s2 =	sadd.s32 $0x10, s2;
	s13 =	sor.u32 s13, s14;
	(pc) =	sbr.rel @p0 .LBB2_20-.Ltmp9, $4  }
0xb1: {  	v16 =	vmul.f32 v14, v15;
	v15 =	vld [tilespmem:s13+$0x1980]  }
0xb2: {  	v14 =	vld [tilespmem:s13+$0x7980]  }
0xb3: {  	v13 =	vadd.f32 v16, v13  }
0xb4: {  	s12 =	sadd.s32 $0x80, s12  }
0xb5: {  	_ = 	snop  }
0xb6: {  	v17 =	vld [tilespmem:s0+$0x7A00]  }
0xb7: {  	v15 =	vmul.f32 v14, v15;
	v14 =	vld [tilespmem:s0+$0x1A00];
	_ =	sdelay $0x1  }
0xb8: {  	s2 =	simm.s32 $0x10;
	v16 =	vimm.f32 $0.0e+00;
	s0 =	simm.s32 $0x80;
	v13 =	vadd.f32 v15, v13;
	v15 =	vimm.f32 $0.0e+00  }
.LBB2_22:
0xb9: {  	s12 =	sand.u32 $0x70, s2;
	s13 =	sand.u32 $0x1C00, s0;
	p0 =	sne.s32 s2, $0x2F0  }
.Ltmp10:
0xba: {  	s2 =	sadd.s32 $0x10, s2;
	s12 =	sor.u32 s12, s13;
	(pc) =	sbr.rel @p0 .LBB2_22-.Ltmp10, $4  }
0xbb: {  	v18 =	vmul.f32 v17, v14;
	v14 =	vld [tilespmem:s12+$0x1A00]  }
0xbc: {  	v17 =	vld [tilespmem:s12+$0x7A00]  }
0xbd: {  	v16 =	vadd.f32 v18, v16  }
0xbe: {  	s0 =	sadd.s32 $0x80, s0  }
0xbf: {  	s0 =	simm.s32 $0x0  }
0xc0: {  	s2 =	sand.u32 $0x70, s0;
	s0 =	sand.u32 $0x1C00, s0  }
0xc1: {  	v14 =	vmul.f32 v17, v14;
	s0 =	sor.u32 s2, s0  }
0xc2: {  	v17 =	vld [tilespmem:s0+$0x1A80]  }
0xc3: {  	v14 =	vadd.f32 v14, v16;
	v16 =	vld [tilespmem:s0+$0x7A80];
	_ =	sdelay $0x1  }
0xc4: {  	s12 =	simm.s32 $0x80;
	s2 =	simm.s32 $0x10  }
.LBB2_24:
0xc5: {  	s13 =	sand.u32 $0x70, s2;
	s14 =	sand.u32 $0x1C00, s12;
	p0 =	sne.s32 s2, $0x2F0  }
.Ltmp11:
0xc6: {  	s2 =	sadd.s32 $0x10, s2;
	s13 =	sor.u32 s13, s14;
	(pc) =	sbr.rel @p0 .LBB2_24-.Ltmp11, $4  }
0xc7: {  	v18 =	vmul.f32 v16, v17;
	v17 =	vld [tilespmem:s13+$0x1A80]  }
0xc8: {  	v16 =	vld [tilespmem:s13+$0x7A80]  }
0xc9: {  	v15 =	vadd.f32 v18, v15  }
0xca: {  	s12 =	sadd.s32 $0x80, s12  }
0xcb: {  	_ = 	snop  }
0xcc: {  	v19 =	vld [tilespmem:s0+$0x7B00]  }
0xcd: {  	v17 =	vmul.f32 v16, v17;
	v16 =	vld [tilespmem:s0+$0x1B00];
	_ =	sdelay $0x1  }
0xce: {  	s2 =	simm.s32 $0x10;
	v18 =	vimm.f32 $0.0e+00;
	s0 =	simm.s32 $0x80;
	v15 =	vadd.f32 v17, v15;
	v17 =	vimm.f32 $0.0e+00  }
.LBB2_26:
0xcf: {  	s12 =	sand.u32 $0x70, s2;
	s13 =	sand.u32 $0x1C00, s0;
	p0 =	sne.s32 s2, $0x2F0  }
.Ltmp12:
0xd0: {  	s2 =	sadd.s32 $0x10, s2;
	s12 =	sor.u32 s12, s13;
	(pc) =	sbr.rel @p0 .LBB2_26-.Ltmp12, $4  }
0xd1: {  	v20 =	vmul.f32 v19, v16;
	v16 =	vld [tilespmem:s12+$0x1B00]  }
0xd2: {  	v19 =	vld [tilespmem:s12+$0x7B00]  }
0xd3: {  	v18 =	vadd.f32 v20, v18  }
0xd4: {  	s0 =	sadd.s32 $0x80, s0  }
0xd5: {  	s0 =	simm.s32 $0x0  }
0xd6: {  	s2 =	sand.u32 $0x70, s0;
	s0 =	sand.u32 $0x1C00, s0  }
0xd7: {  	v16 =	vmul.f32 v19, v16;
	s0 =	sor.u32 s2, s0  }
0xd8: {  	v19 =	vld [tilespmem:s0+$0x1B80]  }
0xd9: {  	v16 =	vadd.f32 v16, v18;
	v18 =	vld [tilespmem:s0+$0x7B80];
	_ =	sdelay $0x1  }
0xda: {  	s12 =	simm.s32 $0x80;
	s2 =	simm.s32 $0x10  }
.LBB2_28:
0xdb: {  	s13 =	sand.u32 $0x70, s2;
	s14 =	sand.u32 $0x1C00, s12;
	p0 =	sne.s32 s2, $0x2F0  }
.Ltmp13:
0xdc: {  	s2 =	sadd.s32 $0x10, s2;
	s13 =	sor.u32 s13, s14;
	(pc) =	sbr.rel @p0 .LBB2_28-.Ltmp13, $4  }
0xdd: {  	v20 =	vmul.f32 v18, v19;
	v19 =	vld [tilespmem:s13+$0x1B80]  }
0xde: {  	v18 =	vld [tilespmem:s13+$0x7B80]  }
0xdf: {  	v17 =	vadd.f32 v20, v17  }
0xe0: {  	s12 =	sadd.s32 $0x80, s12  }
0xe1: {  	_ = 	snop  }
0xe2: {  	v20 =	vld [tilespmem:s0+$0x7C00]  }
0xe3: {  	v18 =	vmul.f32 v18, v19;
	v19 =	vld [tilespmem:s0+$0x1C00];
	_ =	sdelay $0x1  }
0xe4: {  	s2 =	simm.s32 $0x10;
	v21 =	vimm.f32 $0.0e+00;
	s0 =	simm.s32 $0x80;
	v18 =	vadd.f32 v18, v17;
	v17 =	vimm.f32 $0.0e+00  }
.LBB2_30:
0xe5: {  	s12 =	sand.u32 $0x70, s2;
	s13 =	sand.u32 $0x1C00, s0;
	p0 =	sne.s32 s2, $0x2F0  }
.Ltmp14:
0xe6: {  	s2 =	sadd.s32 $0x10, s2;
	s12 =	sor.u32 s12, s13;
	(pc) =	sbr.rel @p0 .LBB2_30-.Ltmp14, $4  }
0xe7: {  	v22 =	vmul.f32 v20, v19;
	v19 =	vld [tilespmem:s12+$0x1C00]  }
0xe8: {  	v20 =	vld [tilespmem:s12+$0x7C00]  }
0xe9: {  	v21 =	vadd.f32 v22, v21  }
0xea: {  	s0 =	sadd.s32 $0x80, s0  }
0xeb: {  	s0 =	simm.s32 $0x0  }
0xec: {  	s2 =	sand.u32 $0x70, s0;
	s0 =	sand.u32 $0x1C00, s0  }
0xed: {  	v19 =	vmul.f32 v20, v19;
	s2 =	sor.u32 s2, s0  }
0xee: {  	v20 =	vld [tilespmem:s2+$0x1C80]  }
0xef: {  	v19 =	vadd.f32 v19, v21;
	v21 =	vld [tilespmem:s2+$0x7C80];
	_ =	sdelay $0x1  }
0xf0: {  	s0 =	simm.s32 $0x10;
	s2 =	simm.s32 $0x80  }
.LBB2_32:
0xf1: {  	s12 =	sand.u32 $0x70, s0;
	s13 =	sand.u32 $0x1C00, s2;
	p0 =	sne.s32 s0, $0x2F0  }
.Ltmp15:
0xf2: {  	s0 =	sadd.s32 $0x10, s0;
	s12 =	sor.u32 s12, s13;
	(pc) =	sbr.rel @p0 .LBB2_32-.Ltmp15, $4  }
0xf3: {  	v22 =	vmul.f32 v21, v20;
	v20 =	vld [tilespmem:s12+$0x1C80]  }
0xf4: {  	v21 =	vld [tilespmem:s12+$0x7C80]  }
0xf5: {  	v17 =	vadd.f32 v22, v17  }
0xf6: {  	s2 =	sadd.s32 $0x80, s2  }
0xf7: {  	(xrf2) =	vadd.scan.msk.f32 $0xffff, v4  }
0xf8: {  	(xrf2) =	vadd.scan.msk.f32 $0xffff, v5;
	_ =	sdelay $0x4  }
0xf9: {  	(xrf2) =	vadd.scan.msk.f32 $0xffff, v6  }
0xfa: {  	(xrf2) =	vadd.scan.msk.f32 $0xffff, v7;
	_ =	sdelay $0x2  }
0xfb: {  	v4, _, _ =	vpop (xrf2)  }
0xfc: {  	v5, _, _ =	vpop (xrf2)  }
0xfd: {  	(xrf2) =	vadd.scan.msk.f32 $0xffff, v8;
	v4 =	vbroadcast v4, $0xF;
	v5 =	vbroadcast v5, $0xF  }
0xfe: {  	vm3 =	vcmask $0x704;
	(xrf2) =	vadd.scan.msk.f32 $0xffff, v9  }
0xff: {  	v4 =	vnsel vm1, $0x0, v4;
	v5 =	vnsel vm3, $0x0, v5  }
0x100: {  	v4 =	vadd.f32 $0.0e+00, v4  }
0x101: {  	v6, _, _ =	vpop (xrf2)  }
0x102: {  	v6 =	vbroadcast v6, $0xF;
	v4 =	vadd.f32 v5, v4;
	v5, _, _ =	vpop (xrf2)  }
0x103: {  	(xrf2) =	vadd.scan.msk.f32 $0xffff, v10;
	vm3 =	vcmask $0xB08;
	v5 =	vbroadcast v5, $0xF  }
0x104: {  	(xrf2) =	vadd.scan.msk.f32 $0xffff, v11;
	v6 =	vnsel vm3, $0x0, v6  }
0x105: {  	v5 =	vnsel vm4, $0x0, v5  }
0x106: {  	v4 =	vadd.f32 v6, v4  }
0x107: {  	v6, _, _ =	vpop (xrf2)  }
0x108: {  	v6 =	vbroadcast v6, $0xF;
	v4 =	vadd.f32 v5, v4;
	v5, _, _ =	vpop (xrf2)  }
0x109: {  	(xrf2) =	vadd.scan.msk.f32 $0xffff, v12;
	v5 =	vbroadcast v5, $0xF  }
0x10a: {  	(xrf2) =	vadd.scan.msk.f32 $0xffff, v13;
	v6 =	vnsel vm5, $0x0, v6  }
0x10b: {  	v5 =	vnsel vm6, $0x0, v5  }
0x10c: {  	v4 =	vadd.f32 v6, v4  }
0x10d: {  	(xrf2) =	vadd.scan.msk.f32 $0xffff, v14;
	v6, _, _ =	vpop (xrf2)  }
0x10e: {  	v6 =	vbroadcast v6, $0xF;
	v4 =	vadd.f32 v5, v4;
	v5, _, _ =	vpop (xrf2)  }
0x10f: {  	v5 =	vbroadcast v5, $0xF  }
0x110: {  	(xrf2) =	vadd.scan.msk.f32 $0xffff, v15;
	v6 =	vnsel vm7, $0x0, v6  }
0x111: {  	v5 =	vnsel vm8, $0x0, v5  }
0x112: {  	(xrf2) =	vadd.scan.msk.f32 $0xffff, v16;
	v4 =	vadd.f32 v6, v4  }
0x113: {  	v6, _, _ =	vpop (xrf2)  }
0x114: {  	(xrf2) =	vadd.scan.msk.f32 $0xffff, v18;
	v4 =	vadd.f32 v5, v4;
	v5, _, _ =	vpop (xrf2)  }
0x115: {  	v6 =	vbroadcast v6, $0xF;
	v5 =	vbroadcast v5, $0xF  }
0x116: {  	(xrf2) =	vadd.scan.msk.f32 $0xffff, v19  }
0x117: {  	v7 =	vmul.f32 v21, v20;
	v6 =	vnsel vm9, $0x0, v6;
	v8, _, _ =	vpop (xrf2);
	v5 =	vnsel vm10, $0x0, v5  }
0x118: {  	v4 =	vadd.f32 v6, v4;
	v8 =	vbroadcast v8, $0xF  }
0x119: {  	v7 =	vadd.f32 v7, v17;
	v6 =	vld [tilespmem:$0x0]  }
0x11a: {  	v4 =	vadd.f32 v5, v4;
	v5, _, _ =	vpop (xrf2)  }
0x11b: {  	(xrf2) =	vadd.scan.msk.f32 $0xffff, v7;
	v7 =	vnsel vm11, $0x0, v8;
	v5 =	vbroadcast v5, $0xF  }
0x11c: {  	v4 =	vadd.f32 v7, v4;
	v8, _, _ =	vpop (xrf2)  }
0x11d: {  	v7 =	vbroadcast v8, $0xF;
	v5 =	vnsel vm12, $0x0, v5  }
0x11e: {  	v6 =	vand.u32 $0x7F, v6;
	v8, _, _ =	vpop (xrf2);
	v4 =	vadd.f32 v5, v4  }
0x11f: {  	v5 =	vor.u32 v3, v6;
	v6 =	vnsel vm13, $0x0, v7;
	v7 =	vbroadcast v8, $0xF  }
0x120: {  	v8, _, _ =	vpop (xrf2)  }
0x121: {  	v4 =	vadd.f32 v6, v4;
	v6 =	vnsel vm14, $0x0, v7;
	v7 =	vbroadcast v8, $0xF;
	_ =	sdelay $0x1  }
0x122: {  	v4 =	vadd.f32 v6, v4;
	v6 =	vnsel vm15, $0x0, v7;
	_ =	sdelay $0x1  }
0x123: {  	v5 =	vld.idx.msk [tilespmem:v5+s28+$0x0], $0xffff  }
0x124: {  	v4 =	vadd.f32 v6, v4;
	v6, _, _ =	vpop (xrf2)  }
0x125: {  	v6 =	vsel vm2, $0x0, v6  }
0x126: {  	v4 =	vadd.f32 v6, v4;
	_ =	sdelay $0x1  }
0x127: {  	s0 =	simm.s32 $0x0;
	v4 =	vadd.f32 v5, v4  }
0x128: {  	s2 =	sand.u32 $0x70, s0;
	s0 =	sand.u32 $0x1C00, s0  }
0x129: {  	s0 =	sor.u32 s2, s0;
	[tilespmem:$0xD100] =	vst v4  }
0x12a: {  	v4 =	vld [tilespmem:s0+$0x3100]  }
0x12b: {  	v6 =	vld [tilespmem:s0+$0x9100];
	_ =	sdelay $0x1  }
0x12c: {  	s12 =	simm.s32 $0x80;
	s2 =	simm.s32 $0x10;
	v7 =	vimm.f32 $0.0e+00;
	v5 =	vimm.f32 $0.0e+00  }
.LBB2_34:
0x12d: {  	s13 =	sand.u32 $0x70, s2;
	s14 =	sand.u32 $0x1C00, s12;
	p0 =	sne.s32 s2, $0x2F0  }
.Ltmp16:
0x12e: {  	s2 =	sadd.s32 $0x10, s2;
	s13 =	sor.u32 s13, s14;
	(pc) =	sbr.rel @p0 .LBB2_34-.Ltmp16, $4  }
0x12f: {  	v8 =	vmul.f32 v6, v4;
	v4 =	vld [tilespmem:s13+$0x3100]  }
0x130: {  	v6 =	vld [tilespmem:s13+$0x9100]  }
0x131: {  	v7 =	vadd.f32 v8, v7  }
0x132: {  	s12 =	sadd.s32 $0x80, s12  }
0x133: {  	_ =	sdelay $0x1  }
0x134: {  	v4 =	vmul.f32 v6, v4  }
0x135: {  	v6 =	vld [tilespmem:s0+$0x3180]  }
0x136: {  	v4 =	vadd.f32 v4, v7;
	v7 =	vld [tilespmem:s0+$0x9180];
	_ =	sdelay $0x1  }
0x137: {  	s2 =	simm.s32 $0x10;
	s0 =	simm.s32 $0x80  }
.LBB2_36:
0x138: {  	s12 =	sand.u32 $0x70, s2;
	s13 =	sand.u32 $0x1C00, s0;
	p0 =	sne.s32 s2, $0x2F0  }
.Ltmp17:
0x139: {  	s2 =	sadd.s32 $0x10, s2;
	s12 =	sor.u32 s12, s13;
	(pc) =	sbr.rel @p0 .LBB2_36-.Ltmp17, $4  }
0x13a: {  	v8 =	vmul.f32 v7, v6;
	v6 =	vld [tilespmem:s12+$0x3180]  }
0x13b: {  	v7 =	vld [tilespmem:s12+$0x9180]  }
0x13c: {  	v5 =	vadd.f32 v8, v5  }
0x13d: {  	s0 =	sadd.s32 $0x80, s0  }
0x13e: {  	s0 =	simm.s32 $0x0  }
0x13f: {  	s2 =	sand.u32 $0x70, s0;
	s0 =	sand.u32 $0x1C00, s0  }
0x140: {  	s0 =	sor.u32 s2, s0  }
0x141: {  	v7 =	vmul.f32 v7, v6;
	v6 =	vld [tilespmem:s0+$0x3200]  }
0x142: {  	v8 =	vld [tilespmem:s0+$0x9200];
	_ =	sdelay $0x1  }
0x143: {  	s12 =	simm.s32 $0x80;
	v9 =	vimm.f32 $0.0e+00;
	s2 =	simm.s32 $0x10;
	v5 =	vadd.f32 v7, v5;
	v7 =	vimm.f32 $0.0e+00  }
.LBB2_38:
0x144: {  	s13 =	sand.u32 $0x70, s2;
	s14 =	sand.u32 $0x1C00, s12;
	p0 =	sne.s32 s2, $0x2F0  }
.Ltmp18:
0x145: {  	s2 =	sadd.s32 $0x10, s2;
	s13 =	sor.u32 s13, s14;
	(pc) =	sbr.rel @p0 .LBB2_38-.Ltmp18, $4  }
0x146: {  	v10 =	vmul.f32 v8, v6;
	v6 =	vld [tilespmem:s13+$0x3200]  }
0x147: {  	v8 =	vld [tilespmem:s13+$0x9200]  }
0x148: {  	v9 =	vadd.f32 v10, v9  }
0x149: {  	s12 =	sadd.s32 $0x80, s12  }
0x14a: {  	_ =	sdelay $0x1  }
0x14b: {  	v6 =	vmul.f32 v8, v6  }
0x14c: {  	v8 =	vld [tilespmem:s0+$0x3280]  }
0x14d: {  	v6 =	vadd.f32 v6, v9;
	v9 =	vld [tilespmem:s0+$0x9280];
	_ =	sdelay $0x1  }
0x14e: {  	s2 =	simm.s32 $0x10;
	s0 =	simm.s32 $0x80  }
.LBB2_40:
0x14f: {  	s12 =	sand.u32 $0x70, s2;
	s13 =	sand.u32 $0x1C00, s0;
	p0 =	sne.s32 s2, $0x2F0  }
.Ltmp19:
0x150: {  	s2 =	sadd.s32 $0x10, s2;
	s12 =	sor.u32 s12, s13;
	(pc) =	sbr.rel @p0 .LBB2_40-.Ltmp19, $4  }
0x151: {  	v10 =	vmul.f32 v9, v8;
	v8 =	vld [tilespmem:s12+$0x3280]  }
0x152: {  	v9 =	vld [tilespmem:s12+$0x9280]  }
0x153: {  	v7 =	vadd.f32 v10, v7  }
0x154: {  	s0 =	sadd.s32 $0x80, s0  }
0x155: {  	s0 =	simm.s32 $0x0  }
0x156: {  	s2 =	sand.u32 $0x70, s0;
	s0 =	sand.u32 $0x1C00, s0  }
0x157: {  	s0 =	sor.u32 s2, s0  }
0x158: {  	v9 =	vmul.f32 v9, v8;
	v8 =	vld [tilespmem:s0+$0x3300]  }
0x159: {  	v10 =	vld [tilespmem:s0+$0x9300];
	_ =	sdelay $0x1  }
0x15a: {  	s12 =	simm.s32 $0x80;
	v11 =	vimm.f32 $0.0e+00;
	s2 =	simm.s32 $0x10;
	v7 =	vadd.f32 v9, v7;
	v9 =	vimm.f32 $0.0e+00  }
.LBB2_42:
0x15b: {  	s13 =	sand.u32 $0x70, s2;
	s14 =	sand.u32 $0x1C00, s12;
	p0 =	sne.s32 s2, $0x2F0  }
.Ltmp20:
0x15c: {  	s2 =	sadd.s32 $0x10, s2;
	s13 =	sor.u32 s13, s14;
	(pc) =	sbr.rel @p0 .LBB2_42-.Ltmp20, $4  }
0x15d: {  	v12 =	vmul.f32 v10, v8;
	v8 =	vld [tilespmem:s13+$0x3300]  }
0x15e: {  	v10 =	vld [tilespmem:s13+$0x9300]  }
0x15f: {  	v11 =	vadd.f32 v12, v11  }
0x160: {  	s12 =	sadd.s32 $0x80, s12  }
0x161: {  	_ =	sdelay $0x1  }
0x162: {  	v8 =	vmul.f32 v10, v8  }
0x163: {  	v10 =	vld [tilespmem:s0+$0x3380]  }
0x164: {  	v8 =	vadd.f32 v8, v11;
	v11 =	vld [tilespmem:s0+$0x9380];
	_ =	sdelay $0x1  }
0x165: {  	s2 =	simm.s32 $0x10;
	s0 =	simm.s32 $0x80  }
.LBB2_44:
0x166: {  	s12 =	sand.u32 $0x70, s2;
	s13 =	sand.u32 $0x1C00, s0;
	p0 =	sne.s32 s2, $0x2F0  }
.Ltmp21:
0x167: {  	s2 =	sadd.s32 $0x10, s2;
	s12 =	sor.u32 s12, s13;
	(pc) =	sbr.rel @p0 .LBB2_44-.Ltmp21, $4  }
0x168: {  	v12 =	vmul.f32 v11, v10;
	v10 =	vld [tilespmem:s12+$0x3380]  }
0x169: {  	v11 =	vld [tilespmem:s12+$0x9380]  }
0x16a: {  	v9 =	vadd.f32 v12, v9  }
0x16b: {  	s0 =	sadd.s32 $0x80, s0  }
0x16c: {  	s0 =	simm.s32 $0x0  }
0x16d: {  	s2 =	sand.u32 $0x70, s0;
	s0 =	sand.u32 $0x1C00, s0  }
0x16e: {  	s0 =	sor.u32 s2, s0  }
0x16f: {  	v11 =	vmul.f32 v11, v10;
	v10 =	vld [tilespmem:s0+$0x3400]  }
0x170: {  	v12 =	vld [tilespmem:s0+$0x9400];
	_ =	sdelay $0x1  }
0x171: {  	s12 =	simm.s32 $0x80;
	v13 =	vimm.f32 $0.0e+00;
	s2 =	simm.s32 $0x10;
	v9 =	vadd.f32 v11, v9;
	v11 =	vimm.f32 $0.0e+00  }
.LBB2_46:
0x172: {  	s13 =	sand.u32 $0x70, s2;
	s14 =	sand.u32 $0x1C00, s12;
	p0 =	sne.s32 s2, $0x2F0  }
.Ltmp22:
0x173: {  	s2 =	sadd.s32 $0x10, s2;
	s13 =	sor.u32 s13, s14;
	(pc) =	sbr.rel @p0 .LBB2_46-.Ltmp22, $4  }
0x174: {  	v14 =	vmul.f32 v12, v10;
	v10 =	vld [tilespmem:s13+$0x3400]  }
0x175: {  	v12 =	vld [tilespmem:s13+$0x9400]  }
0x176: {  	v13 =	vadd.f32 v14, v13  }
0x177: {  	s12 =	sadd.s32 $0x80, s12  }
0x178: {  	_ =	sdelay $0x1  }
0x179: {  	v10 =	vmul.f32 v12, v10  }
0x17a: {  	v12 =	vld [tilespmem:s0+$0x3480]  }
0x17b: {  	v10 =	vadd.f32 v10, v13;
	v13 =	vld [tilespmem:s0+$0x9480];
	_ =	sdelay $0x1  }
0x17c: {  	s2 =	simm.s32 $0x10;
	s0 =	simm.s32 $0x80  }
.LBB2_48:
0x17d: {  	s12 =	sand.u32 $0x70, s2;
	s13 =	sand.u32 $0x1C00, s0;
	p0 =	sne.s32 s2, $0x2F0  }
.Ltmp23:
0x17e: {  	s2 =	sadd.s32 $0x10, s2;
	s12 =	sor.u32 s12, s13;
	(pc) =	sbr.rel @p0 .LBB2_48-.Ltmp23, $4  }
0x17f: {  	v14 =	vmul.f32 v13, v12;
	v12 =	vld [tilespmem:s12+$0x3480]  }
0x180: {  	v13 =	vld [tilespmem:s12+$0x9480]  }
0x181: {  	v11 =	vadd.f32 v14, v11  }
0x182: {  	s0 =	sadd.s32 $0x80, s0  }
0x183: {  	s0 =	simm.s32 $0x0  }
0x184: {  	s2 =	sand.u32 $0x70, s0;
	s0 =	sand.u32 $0x1C00, s0  }
0x185: {  	s0 =	sor.u32 s2, s0  }
0x186: {  	v13 =	vmul.f32 v13, v12;
	v12 =	vld [tilespmem:s0+$0x4900]  }
0x187: {  	v14 =	vld [tilespmem:s0+$0xA900];
	_ =	sdelay $0x1  }
0x188: {  	s12 =	simm.s32 $0x80;
	v15 =	vimm.f32 $0.0e+00;
	s2 =	simm.s32 $0x10;
	v11 =	vadd.f32 v13, v11;
	v13 =	vimm.f32 $0.0e+00  }
.LBB2_50:
0x189: {  	s13 =	sand.u32 $0x70, s2;
	s14 =	sand.u32 $0x1C00, s12;
	p0 =	sne.s32 s2, $0x2F0  }
.Ltmp24:
0x18a: {  	s2 =	sadd.s32 $0x10, s2;
	s13 =	sor.u32 s13, s14;
	(pc) =	sbr.rel @p0 .LBB2_50-.Ltmp24, $4  }
0x18b: {  	v16 =	vmul.f32 v14, v12;
	v12 =	vld [tilespmem:s13+$0x4900]  }
0x18c: {  	v14 =	vld [tilespmem:s13+$0xA900]  }
0x18d: {  	v15 =	vadd.f32 v16, v15  }
0x18e: {  	s12 =	sadd.s32 $0x80, s12  }
0x18f: {  	_ =	sdelay $0x1  }
0x190: {  	v12 =	vmul.f32 v14, v12  }
0x191: {  	v14 =	vld [tilespmem:s0+$0x4980]  }
0x192: {  	v12 =	vadd.f32 v12, v15;
	v15 =	vld [tilespmem:s0+$0xA980];
	_ =	sdelay $0x1  }
0x193: {  	s2 =	simm.s32 $0x10;
	s0 =	simm.s32 $0x80  }
.LBB2_52:
0x194: {  	s12 =	sand.u32 $0x70, s2;
	s13 =	sand.u32 $0x1C00, s0;
	p0 =	sne.s32 s2, $0x2F0  }
.Ltmp25:
0x195: {  	s2 =	sadd.s32 $0x10, s2;
	s12 =	sor.u32 s12, s13;
	(pc) =	sbr.rel @p0 .LBB2_52-.Ltmp25, $4  }
0x196: {  	v16 =	vmul.f32 v15, v14;
	v14 =	vld [tilespmem:s12+$0x4980]  }
0x197: {  	v15 =	vld [tilespmem:s12+$0xA980]  }
0x198: {  	v13 =	vadd.f32 v16, v13  }
0x199: {  	s0 =	sadd.s32 $0x80, s0  }
0x19a: {  	s0 =	simm.s32 $0x0  }
0x19b: {  	s2 =	sand.u32 $0x70, s0;
	s0 =	sand.u32 $0x1C00, s0  }
0x19c: {  	s0 =	sor.u32 s2, s0  }
0x19d: {  	v15 =	vmul.f32 v15, v14;
	v14 =	vld [tilespmem:s0+$0x4A00]  }
0x19e: {  	v16 =	vld [tilespmem:s0+$0xAA00];
	_ =	sdelay $0x1  }
0x19f: {  	s12 =	simm.s32 $0x80;
	v17 =	vimm.f32 $0.0e+00;
	s2 =	simm.s32 $0x10;
	v13 =	vadd.f32 v15, v13;
	v15 =	vimm.f32 $0.0e+00  }
.LBB2_54:
0x1a0: {  	s13 =	sand.u32 $0x70, s2;
	s14 =	sand.u32 $0x1C00, s12;
	p0 =	sne.s32 s2, $0x2F0  }
.Ltmp26:
0x1a1: {  	s2 =	sadd.s32 $0x10, s2;
	s13 =	sor.u32 s13, s14;
	(pc) =	sbr.rel @p0 .LBB2_54-.Ltmp26, $4  }
0x1a2: {  	v18 =	vmul.f32 v16, v14;
	v14 =	vld [tilespmem:s13+$0x4A00]  }
0x1a3: {  	v16 =	vld [tilespmem:s13+$0xAA00]  }
0x1a4: {  	v17 =	vadd.f32 v18, v17  }
0x1a5: {  	s12 =	sadd.s32 $0x80, s12  }
0x1a6: {  	_ =	sdelay $0x1  }
0x1a7: {  	v14 =	vmul.f32 v16, v14  }
0x1a8: {  	v16 =	vld [tilespmem:s0+$0x4A80]  }
0x1a9: {  	v14 =	vadd.f32 v14, v17;
	v17 =	vld [tilespmem:s0+$0xAA80];
	_ =	sdelay $0x1  }
0x1aa: {  	s2 =	simm.s32 $0x10;
	s0 =	simm.s32 $0x80  }
.LBB2_56:
0x1ab: {  	s12 =	sand.u32 $0x70, s2;
	s13 =	sand.u32 $0x1C00, s0;
	p0 =	sne.s32 s2, $0x2F0  }
.Ltmp27:
0x1ac: {  	s2 =	sadd.s32 $0x10, s2;
	s12 =	sor.u32 s12, s13;
	(pc) =	sbr.rel @p0 .LBB2_56-.Ltmp27, $4  }
0x1ad: {  	v18 =	vmul.f32 v17, v16;
	v16 =	vld [tilespmem:s12+$0x4A80]  }
0x1ae: {  	v17 =	vld [tilespmem:s12+$0xAA80]  }
0x1af: {  	v15 =	vadd.f32 v18, v15  }
0x1b0: {  	s0 =	sadd.s32 $0x80, s0  }
0x1b1: {  	s0 =	simm.s32 $0x0  }
0x1b2: {  	s2 =	sand.u32 $0x70, s0;
	s0 =	sand.u32 $0x1C00, s0  }
0x1b3: {  	s0 =	sor.u32 s2, s0  }
0x1b4: {  	v17 =	vmul.f32 v17, v16;
	v16 =	vld [tilespmem:s0+$0x4B00]  }
0x1b5: {  	v18 =	vld [tilespmem:s0+$0xAB00];
	_ =	sdelay $0x1  }
0x1b6: {  	s12 =	simm.s32 $0x80;
	v19 =	vimm.f32 $0.0e+00;
	s2 =	simm.s32 $0x10;
	v15 =	vadd.f32 v17, v15;
	v17 =	vimm.f32 $0.0e+00  }
.LBB2_58:
0x1b7: {  	s13 =	sand.u32 $0x70, s2;
	s14 =	sand.u32 $0x1C00, s12;
	p0 =	sne.s32 s2, $0x2F0  }
.Ltmp28:
0x1b8: {  	s2 =	sadd.s32 $0x10, s2;
	s13 =	sor.u32 s13, s14;
	(pc) =	sbr.rel @p0 .LBB2_58-.Ltmp28, $4  }
0x1b9: {  	v20 =	vmul.f32 v18, v16;
	v16 =	vld [tilespmem:s13+$0x4B00]  }
0x1ba: {  	v18 =	vld [tilespmem:s13+$0xAB00]  }
0x1bb: {  	v19 =	vadd.f32 v20, v19  }
0x1bc: {  	s12 =	sadd.s32 $0x80, s12  }
0x1bd: {  	_ =	sdelay $0x1  }
0x1be: {  	v16 =	vmul.f32 v18, v16  }
0x1bf: {  	v18 =	vld [tilespmem:s0+$0x4B80]  }
0x1c0: {  	v16 =	vadd.f32 v16, v19;
	v19 =	vld [tilespmem:s0+$0xAB80];
	_ =	sdelay $0x1  }
0x1c1: {  	s2 =	simm.s32 $0x10;
	s0 =	simm.s32 $0x80  }
.LBB2_60:
0x1c2: {  	s12 =	sand.u32 $0x70, s2;
	s13 =	sand.u32 $0x1C00, s0;
	p0 =	sne.s32 s2, $0x2F0  }
.Ltmp29:
0x1c3: {  	s2 =	sadd.s32 $0x10, s2;
	s12 =	sor.u32 s12, s13;
	(pc) =	sbr.rel @p0 .LBB2_60-.Ltmp29, $4  }
0x1c4: {  	v20 =	vmul.f32 v19, v18;
	v18 =	vld [tilespmem:s12+$0x4B80]  }
0x1c5: {  	v19 =	vld [tilespmem:s12+$0xAB80]  }
0x1c6: {  	v17 =	vadd.f32 v20, v17  }
0x1c7: {  	s0 =	sadd.s32 $0x80, s0  }
0x1c8: {  	s0 =	simm.s32 $0x0  }
0x1c9: {  	s2 =	sand.u32 $0x70, s0;
	s0 =	sand.u32 $0x1C00, s0  }
0x1ca: {  	s0 =	sor.u32 s2, s0  }
0x1cb: {  	v18 =	vmul.f32 v19, v18;
	v19 =	vld [tilespmem:s0+$0x4C00]  }
0x1cc: {  	v20 =	vld [tilespmem:s0+$0xAC00];
	_ =	sdelay $0x1  }
0x1cd: {  	s12 =	simm.s32 $0x80;
	v21 =	vimm.f32 $0.0e+00;
	s2 =	simm.s32 $0x10;
	v18 =	vadd.f32 v18, v17;
	v17 =	vimm.f32 $0.0e+00  }
.LBB2_62:
0x1ce: {  	s13 =	sand.u32 $0x70, s2;
	s14 =	sand.u32 $0x1C00, s12;
	p0 =	sne.s32 s2, $0x2F0  }
.Ltmp30:
0x1cf: {  	s2 =	sadd.s32 $0x10, s2;
	s13 =	sor.u32 s13, s14;
	(pc) =	sbr.rel @p0 .LBB2_62-.Ltmp30, $4  }
0x1d0: {  	v22 =	vmul.f32 v20, v19;
	v19 =	vld [tilespmem:s13+$0x4C00]  }
0x1d1: {  	v20 =	vld [tilespmem:s13+$0xAC00]  }
0x1d2: {  	v21 =	vadd.f32 v22, v21  }
0x1d3: {  	s12 =	sadd.s32 $0x80, s12  }
0x1d4: {  	_ =	sdelay $0x1  }
0x1d5: {  	v19 =	vmul.f32 v20, v19  }
0x1d6: {  	v20 =	vld [tilespmem:s0+$0x4C80]  }
0x1d7: {  	v19 =	vadd.f32 v19, v21;
	v21 =	vld [tilespmem:s0+$0xAC80];
	_ =	sdelay $0x1  }
0x1d8: {  	s2 =	simm.s32 $0x10;
	s0 =	simm.s32 $0x80  }
.LBB2_64:
0x1d9: {  	s12 =	sand.u32 $0x70, s2;
	s13 =	sand.u32 $0x1C00, s0;
	p0 =	sne.s32 s2, $0x2F0  }
.Ltmp31:
0x1da: {  	s2 =	sadd.s32 $0x10, s2;
	s12 =	sor.u32 s12, s13;
	(pc) =	sbr.rel @p0 .LBB2_64-.Ltmp31, $4  }
0x1db: {  	v22 =	vmul.f32 v21, v20;
	v20 =	vld [tilespmem:s12+$0x4C80]  }
0x1dc: {  	v21 =	vld [tilespmem:s12+$0xAC80]  }
0x1dd: {  	v17 =	vadd.f32 v22, v17  }
0x1de: {  	s0 =	sadd.s32 $0x80, s0  }
0x1df: {  	(xrf2) =	vadd.scan.msk.f32 $0xffff, v4  }
0x1e0: {  	(xrf2) =	vadd.scan.msk.f32 $0xffff, v5;
	_ =	sdelay $0x4  }
0x1e1: {  	(xrf2) =	vadd.scan.msk.f32 $0xffff, v6  }
0x1e2: {  	(xrf2) =	vadd.scan.msk.f32 $0xffff, v7;
	_ =	sdelay $0x2  }
0x1e3: {  	v4, _, _ =	vpop (xrf2)  }
0x1e4: {  	v5, _, _ =	vpop (xrf2)  }
0x1e5: {  	(xrf2) =	vadd.scan.msk.f32 $0xffff, v8;
	v4 =	vbroadcast v4, $0xF;
	v5 =	vbroadcast v5, $0xF  }
0x1e6: {  	vm3 =	vcmask $0x704;
	(xrf2) =	vadd.scan.msk.f32 $0xffff, v9  }
0x1e7: {  	v4 =	vnsel vm1, $0x0, v4;
	v5 =	vnsel vm3, $0x0, v5  }
0x1e8: {  	v4 =	vadd.f32 $0.0e+00, v4  }
0x1e9: {  	v6, _, _ =	vpop (xrf2)  }
0x1ea: {  	v4 =	vadd.f32 v5, v4;
	v5, _, _ =	vpop (xrf2)  }
0x1eb: {  	(xrf2) =	vadd.scan.msk.f32 $0xffff, v10;
	v6 =	vbroadcast v6, $0xF;
	v5 =	vbroadcast v5, $0xF  }
0x1ec: {  	(xrf2) =	vadd.scan.msk.f32 $0xffff, v11;
	vm3 =	vcmask $0xB08  }
0x1ed: {  	v6 =	vnsel vm3, $0x0, v6;
	v5 =	vnsel vm4, $0x0, v5  }
0x1ee: {  	v4 =	vadd.f32 v6, v4  }
0x1ef: {  	v44, _, _ =	vpop (xrf2)  }
0x1f0: {  	(xrf2) =	vadd.scan.msk.f32 $0xffff, v12;
	v4 =	vadd.f32 v5, v4;
	v5, _, _ =	vpop (xrf2)  }
0x1f1: {  	v6 =	vbroadcast v44, $0xF;
	v5 =	vbroadcast v5, $0xF  }
0x1f2: {  	(xrf2) =	vadd.scan.msk.f32 $0xffff, v13  }
0x1f3: {  	v6 =	vnsel vm5, $0x0, v6;
	v5 =	vnsel vm6, $0x0, v5  }
0x1f4: {  	(xrf2) =	vadd.scan.msk.f32 $0xffff, v14;
	v4 =	vadd.f32 v6, v4  }
0x1f5: {  	v45, _, _ =	vpop (xrf2)  }
0x1f6: {  	(xrf2) =	vadd.scan.msk.f32 $0xffff, v15;
	v4 =	vadd.f32 v5, v4;
	v5, _, _ =	vpop (xrf2)  }
0x1f7: {  	v46 =	vbroadcast v45, $0xF;
	v5 =	vbroadcast v5, $0xF  }
0x1f8: {  	(xrf2) =	vadd.scan.msk.f32 $0xffff, v16  }
0x1f9: {  	v6 =	vnsel vm7, $0x0, v46;
	v5 =	vnsel vm8, $0x0, v5  }
0x1fa: {  	v4 =	vadd.f32 v6, v4;
	(xrf2) =	vadd.scan.msk.f32 $0xffff, v18;
	v47, _, _ =	vpop (xrf2)  }
0x1fb: {  	v6 =	vbroadcast v47, $0xF  }
0x1fc: {  	v48 =	vmul.f32 v21, v20;
	(xrf2) =	vadd.scan.msk.f32 $0xffff, v19;
	v4 =	vadd.f32 v5, v4;
	v5, _, _ =	vpop (xrf2)  }
0x1fd: {  	v6 =	vnsel vm9, $0x0, v6;
	v5 =	vbroadcast v5, $0xF  }
0x1fe: {  	v50 =	vld [tilespmem:$0x10];
	v7 =	vadd.f32 v48, v17;
	v4 =	vadd.f32 v6, v4;
	v49, _, _ =	vpop (xrf2)  }
0x1ff: {  	v8 =	vbroadcast v49, $0xF;
	v5 =	vnsel vm10, $0x0, v5  }
0x200: {  	(xrf2) =	vadd.scan.msk.f32 $0xffff, v7;
	v51, _, _ =	vpop (xrf2);
	v4 =	vadd.f32 v5, v4  }
0x201: {  	v5 =	vbroadcast v51, $0xF;
	v52 =	vnsel vm11, $0x0, v8  }
0x202: {  	v55 =	vor.u32 $0x800, v3;
	v53, _, _ =	vpop (xrf2);
	v4 =	vadd.f32 v52, v4  }
0x203: {  	v6 =	vand.u32 $0x7F, v50;
	v54 =	vbroadcast v53, $0xF;
	v5 =	vnsel vm12, $0x0, v5  }
0x204: {  	v56, _, _ =	vpop (xrf2);
	v4 =	vadd.f32 v5, v4;
	v5 =	vor.u32 v55, v6  }
0x205: {  	v58 =	vbroadcast v56, $0xF;
	v57 =	vnsel vm13, $0x0, v54  }
0x206: {  	v59, _, _ =	vpop (xrf2);
	v4 =	vadd.f32 v57, v4  }
0x207: {  	v61 =	vbroadcast v59, $0xF;
	v60 =	vnsel vm14, $0x0, v58  }
0x208: {  	v4 =	vadd.f32 v60, v4  }
0x209: {  	v62 =	vnsel vm15, $0x0, v61;
	v5 =	vld.idx.msk [tilespmem:v5+s28+$0x0], $0xffff  }
0x20a: {  	v63, _, _ =	vpop (xrf2);
	v4 =	vadd.f32 v62, v4  }
0x20b: {  	v6 =	vsel vm2, $0x0, v63  }
0x20c: {  	v4 =	vadd.f32 v6, v4;
	_ =	sdelay $0x1  }
0x20d: {  	s31 =	sadd.s32 $0x1, s31;
	v4 =	vadd.f32 v5, v4  }
0x20e: {  	p0 =	sne.s32 s31, s10  }
.Ltmp32:
0x20f: {  	[tilespmem:$0xD110] =	vst v4;
	(pc) =	sbr.rel @p0 .LBB2_1-.Ltmp32, $4  }
0x210: {  	[hbm4b:s9+s3] =	stream.linear.scatter [tilespmem:s30], [sflag:$0x2], $0x20, $0x38;
	[tilespmem:$0xD180] =	vst v63  }
0x211: {  	_ =	swait.ge [sflag:s11], $0x20  }
0x212: {  	[sflag:s11] =	ssyncset.done $0x0  }
0x213: {  	[sflag:s11] =	ssyncadd.s32 $0xFFFFFFE0  }
0x214: {  	_ =	sfence.sel $0x180000  }
0x215: {  	[bflag:$0x0] =	sbarrier.arrive $0xFFFF  }
0x216: {  	_ =	strace $0x90000047  }
0x217: {  	s0 =	stileid.u32;
	[bflag:$0x2] =	sbarrier.arrive $0xFFFF  }
0x218: {  	p0 =	sne.s32 s0, $0x0;
	s0 =	rddreg [dreg:$0x3]  }
0x219: {  	s0 =	sadd.s32 @!p0 $0x100000, s0  }
0x21a: {  	[sflag:s0] =	ssyncadd.tile.s32 @!p0 $0x1;
	_ =	shalt  }
.Lfunc_end2:
_tile_overlayer_lowered:
.L_overlay_start_2:
0x21b: {  	(tag) =	ssettag $0x2  }
0x21c: {  	s0 =	rddreg [dreg:$0x0];
	s2 =	stileid.u32  }
0x21d: {  	s1 =	rddreg [dreg:$0x1];
	p0 =	sne.s32 s2, $0x0  }
0x21e: {  	s3 =	rddreg [dreg:$0x2];
	[bflag:$0x3] =	sbarrier.arrive $0xFFFF;
	s2 =	simm.s32 @!p0 $0x1C02  }
0x21f: {  	[timem:s3], [sflag:s2] =	dma.local @!p0 [hbm:s0], s1  }
0x220: {  	s0 =	simm.s32 @!p0 $0x2  }
0x221: {  	_ =	swait.ge @!p0 [sflag:s0], s1  }
0x222: {  	s1 =	ssub.s32 @!p0 $0x0, s1;
	[sflag:s0] =	ssyncset.done @!p0 $0x0  }
0x223: {  	[sflag:s0] =	ssyncadd.s32 @!p0 s1  }
0x224: {  	[bflag:$0x3] =	sbarrier.arrive $0xFFFF  }
0x225: {  	_ =	shalt  }

</sc_bundles>
